<compile_context>
chip_gen: v7x
topology: tpu7x:2x2x1
jax: 0.10.2.dev20260603
libtpu: 0.0.44.dev20260713+nightly
codegen_flags: <defaults>
</compile_context>

<pallas_src>
import functools

import jax
import jax.numpy as jnp
from jax import lax
from jax.experimental import pallas as pl
from jax.experimental.pallas import tpu as pltpu
from jax.experimental.pallas import tpu_sc as plsc

N = 10000
E = 160000
NODE_DIM = 128
EDGE_DIM = 16
H = 32
MLP_H = 128
STEPS = 2

N_PAD = 10240
EB = 128
NB = E // EB
NUM_CORES = 2
NUM_SUBCORES = 16
NW = NUM_CORES * NUM_SUBCORES
ROWS_PER_SUB = N_PAD // NUM_SUBCORES

BE = 2000
BN = 2048



def _proj_body(x_ref, wpt_ref, bp_ref, out_ref):
    out_ref[...] = (
        jnp.dot(x_ref[...], wpt_ref[...], preferred_element_type=jnp.float32)
        + bp_ref[...]
    )


def _project(x, wpt, bp2d):
    return pl.pallas_call(
        _proj_body,
        grid=(N // 2000,),
        in_specs=[
            pl.BlockSpec((2000, NODE_DIM), lambda i: (i, 0)),
            pl.BlockSpec((NODE_DIM, H), lambda i: (0, 0)),
            pl.BlockSpec((1, H), lambda i: (0, 0)),
        ],
        out_specs=pl.BlockSpec((2000, H), lambda i: (i, 0)),
        out_shape=jax.ShapeDtypeStruct((N, H), jnp.float32),
    )(x, wpt, bp2d)


def _msg_body(ea_ref, w1t_ref, b1_ref, w2tp_ref, b2p_ref, hs_ref, rep_ref,
              out_ref):
    hidden = jnp.maximum(
        jnp.dot(ea_ref[...], w1t_ref[...], preferred_element_type=jnp.float32)
        + b1_ref[...],
        0.0,
    )
    wf = (
        jnp.dot(hidden, w2tp_ref[...], preferred_element_type=jnp.float32)
        + b2p_ref[...]
    )
    wf_b = wf.astype(jnp.bfloat16).astype(jnp.float32)
    hst = jnp.dot(hs_ref[...].astype(jnp.bfloat16), rep_ref[...],
                  preferred_element_type=jnp.float32)
    prod = wf_b * hst
    acc = prod
    width = H * H
    while width > H:
        width //= 2
        acc = acc[:, :width] + acc[:, width:2 * width]
    out_ref[...] = acc


def _messages(ea, w1t, b12d, w2tp, b2p2d, hs, rep):
    return pl.pallas_call(
        _msg_body,
        grid=(E // BE,),
        in_specs=[
            pl.BlockSpec((BE, EDGE_DIM), lambda i: (i, 0)),
            pl.BlockSpec((EDGE_DIM, MLP_H), lambda i: (0, 0)),
            pl.BlockSpec((1, MLP_H), lambda i: (0, 0)),
            pl.BlockSpec((MLP_H, H * H), lambda i: (0, 0)),
            pl.BlockSpec((1, H * H), lambda i: (0, 0)),
            pl.BlockSpec((BE, H), lambda i: (i, 0)),
            pl.BlockSpec((H, H * H), lambda i: (0, 0)),
        ],
        out_specs=pl.BlockSpec((BE, H), lambda i: (i, 0)),
        out_shape=jax.ShapeDtypeStruct((E, H), jnp.float32),
    )(ea, w1t, b12d, w2tp, b2p2d, hs, rep)


def _gru_body(part_ref, h_ref, wiht_ref, whht_ref, bih_ref, bhh_ref, out_ref):
    aggr = part_ref[0] + part_ref[1]
    h = h_ref[...]
    gi = (jnp.dot(aggr, wiht_ref[...], preferred_element_type=jnp.float32)
          + bih_ref[...])
    gh = (jnp.dot(h, whht_ref[...], preferred_element_type=jnp.float32)
          + bhh_ref[...])
    r = jax.nn.sigmoid(gi[:, 0:H] + gh[:, 0:H])
    z = jax.nn.sigmoid(gi[:, H:2 * H] + gh[:, H:2 * H])
    n = jnp.tanh(gi[:, 2 * H:3 * H] + r * gh[:, 2 * H:3 * H])
    out_ref[...] = (1.0 - z) * n + z * h


def _gru(part, h, wiht, whht, bih2d, bhh2d):
    return pl.pallas_call(
        _gru_body,
        grid=(N_PAD // BN,),
        in_specs=[
            pl.BlockSpec((2, BN, H), lambda i: (0, i, 0)),
            pl.BlockSpec((BN, H), lambda i: (i, 0)),
            pl.BlockSpec((H, 3 * H), lambda i: (0, 0)),
            pl.BlockSpec((H, 3 * H), lambda i: (0, 0)),
            pl.BlockSpec((1, 3 * H), lambda i: (0, 0)),
            pl.BlockSpec((1, 3 * H), lambda i: (0, 0)),
        ],
        out_specs=pl.BlockSpec((BN, H), lambda i: (i, 0)),
        out_shape=jax.ShapeDtypeStruct((N_PAD, H), jnp.float32),
    )(part, h, wiht, whht, bih2d, bhh2d)



_SC_MESH = dict(core_axis_name="c", subcore_axis_name="s")
_GATHER_ITERS = NB // NW + 1


def _gather_sc(h_pad, src2d):
    mesh = plsc.VectorSubcoreMesh(**_SC_MESH)

    @functools.partial(
        pl.kernel, mesh=mesh,
        out_type=jax.ShapeDtypeStruct((E, H), jnp.float32),
        scratch_types=[
            pltpu.VMEM((EB,), jnp.int32),
            pltpu.VMEM((EB, H), jnp.float32),
            pltpu.SemaphoreType.DMA,
        ],
        compiler_params=pltpu.CompilerParams(use_tc_tiling_on_sc=False),
    )
    def k(h_hbm, src_hbm, out_hbm, idx_v, rows_v, sem):
        cid = lax.axis_index("c")
        sid = lax.axis_index("s")
        wid = sid * NUM_CORES + cid

        def body(j, carry):
            blk = wid + j * NW

            @pl.when(blk < NB)
            def _():
                pltpu.sync_copy(src_hbm.at[blk], idx_v)
                pltpu.async_copy(h_hbm.at[idx_v], rows_v, sem).wait()
                pltpu.sync_copy(rows_v, out_hbm.at[pl.ds(blk * EB, EB)])

            return carry

        lax.fori_loop(0, _GATHER_ITERS, body, 0)

    return k(h_pad, src2d)


_CORE_BLOCKS = NB // NUM_CORES
_SCAT_ITERS = _CORE_BLOCKS // NUM_SUBCORES + 1


def _scatter_sc(msg, dst2d, zeros_pad):
    mesh = plsc.VectorSubcoreMesh(**_SC_MESH)

    @functools.partial(
        pl.kernel, mesh=mesh,
        out_type=jax.ShapeDtypeStruct((NUM_CORES * N_PAD, H), jnp.float32),
        scratch_types=[
            pltpu.VMEM_SHARED((N_PAD, H), jnp.float32),
            pltpu.VMEM((EB,), jnp.int32),
            pltpu.VMEM((EB, H), jnp.float32),
        ],
        compiler_params=pltpu.CompilerParams(use_tc_tiling_on_sc=False),
    )
    def k(msg_hbm, dst_hbm, zero_hbm, out_hbm, acc_sp, idx_v, rows_v):
        cid = lax.axis_index("c")
        sid = lax.axis_index("s")
        stripe = pl.ds(sid * ROWS_PER_SUB, ROWS_PER_SUB)
        pltpu.sync_copy(zero_hbm.at[stripe], acc_sp.at[stripe])
        plsc.subcore_barrier()

        base = cid * _CORE_BLOCKS

        def body(j, carry):
            rel = sid + j * NUM_SUBCORES

            @pl.when(rel < _CORE_BLOCKS)
            def _():
                blk = base + rel
                pltpu.sync_copy(dst_hbm.at[blk], idx_v)
                pltpu.sync_copy(msg_hbm.at[pl.ds(blk * EB, EB)], rows_v)
                pltpu.sync_copy(rows_v, acc_sp.at[idx_v], add=True)

            return carry

        lax.fori_loop(0, _SCAT_ITERS, body, 0)
        plsc.subcore_barrier()
        pltpu.sync_copy(
            acc_sp.at[stripe],
            out_hbm.at[pl.ds(cid * N_PAD + sid * ROWS_PER_SUB, ROWS_PER_SUB)],
        )

    return k(msg, dst2d, zeros_pad)



def kernel(x, edge_index, edge_attr, Wp, bp, W1, b1, W2, b2, Wih, Whh,
           bih, bhh):
    src2d = edge_index[0].reshape(NB, EB)
    dst2d = edge_index[1].reshape(NB, EB)

    wpt = Wp.T
    w1t = W1.T
    w2tp = W2.reshape(H, H, MLP_H).transpose(2, 1, 0).reshape(MLP_H, H * H)
    b2p2d = b2.reshape(H, H).T.reshape(1, H * H)
    rep = jnp.repeat(jnp.eye(H, dtype=jnp.float32), H, axis=1).astype(
        jnp.bfloat16)
    wiht = Wih.T
    whht = Whh.T
    bp2d = bp.reshape(1, H)
    b12d = b1.reshape(1, MLP_H)
    bih2d = bih.reshape(1, 3 * H)
    bhh2d = bhh.reshape(1, 3 * H)
    zeros_pad = jnp.zeros((N_PAD, H), dtype=jnp.float32)

    h = _project(x, wpt, bp2d)
    h = jnp.pad(h, ((0, N_PAD - N), (0, 0)))
    for _ in range(STEPS):
        hs = _gather_sc(h, src2d)
        msg = _messages(edge_attr, w1t, b12d, w2tp, b2p2d, hs, rep)
        part = _scatter_sc(msg, dst2d, zeros_pad).reshape(NUM_CORES, N_PAD, H)
        h = _gru(part, h, wiht, whht, bih2d, bhh2d)
    return h[:N]

# --- scband reference (transcript-rebuilt; emitter-appended) ---
"""Pipeline reference for scband-ggnnencoder-78606491451793 (READ-ONLY COPY).

The authoritative reference and input builder live on the scoring server;
editing this copy changes nothing except your own understanding.
"""

import jax, jax.numpy as jnp
import numpy as np

N = 10000
E = 160000
NODE_DIM = 128
EDGE_DIM = 16
H = 32
MLP_H = 128
STEPS = 2


def setup_inputs(seed: int = 0) -> dict:
    key = jax.random.key(seed)
    ks = jax.random.split(key, 13)
    x = jax.random.normal(ks[0], (N, NODE_DIM), dtype=jnp.float32)
    edge_index = jax.random.randint(ks[1], (2, E), 0, N, dtype=jnp.int32)
    edge_attr = jax.random.normal(ks[2], (E, EDGE_DIM), dtype=jnp.float32)
    # node_proj: Linear(NODE_DIM -> H)
    Wp = jax.random.normal(ks[3], (H, NODE_DIM), dtype=jnp.float32) / np.sqrt(NODE_DIM)
    bp = jnp.zeros((H,), dtype=jnp.float32)
    # edge network MLP: Linear(EDGE_DIM -> MLP_H), ReLU, Linear(MLP_H -> H*H)
    W1 = jax.random.normal(ks[4], (MLP_H, EDGE_DIM), dtype=jnp.float32) / np.sqrt(EDGE_DIM)
    b1 = jnp.zeros((MLP_H,), dtype=jnp.float32)
    W2 = jax.random.normal(ks[5], (H * H, MLP_H), dtype=jnp.float32) / np.sqrt(MLP_H)
    b2 = jnp.zeros((H * H,), dtype=jnp.float32)
    # GRUCell params (torch layout: weight_ih (3H,H), weight_hh (3H,H))
    Wih = jax.random.normal(ks[6], (3 * H, H), dtype=jnp.float32) / np.sqrt(H)
    Whh = jax.random.normal(ks[7], (3 * H, H), dtype=jnp.float32) / np.sqrt(H)
    bih = jnp.zeros((3 * H,), dtype=jnp.float32)
    bhh = jnp.zeros((3 * H,), dtype=jnp.float32)
    return {
        "x": x, "edge_index": edge_index, "edge_attr": edge_attr,
        "Wp": Wp, "bp": bp, "W1": W1, "b1": b1, "W2": W2, "b2": b2,
        "Wih": Wih, "Whh": Whh, "bih": bih, "bhh": bhh,
    }


def _gru_cell(x_in, h, Wih, Whh, bih, bhh):
    gi = x_in @ Wih.T + bih
    gh = h @ Whh.T + bhh
    i_r, i_z, i_n = jnp.split(gi, 3, axis=1)
    h_r, h_z, h_n = jnp.split(gh, 3, axis=1)
    r = jax.nn.sigmoid(i_r + h_r)
    z = jax.nn.sigmoid(i_z + h_z)
    n = jnp.tanh(i_n + r * h_n)
    return (1.0 - z) * n + z * h


def reference(x, edge_index, edge_attr, Wp, bp, W1, b1, W2, b2, Wih, Whh, bih, bhh):
    h = x @ Wp.T + bp
    src = edge_index[0]
    dst = edge_index[1]
    for _ in range(STEPS):
        # EdgeNetwork: per-edge weight matrices (E, H, H)
        hidden = jax.nn.relu(edge_attr @ W1.T + b1)
        We = (hidden @ W2.T + b2).reshape(E, H, H)
        # message: bmm(W, h_j)
        h_j = h[src]
        msg = jnp.einsum('eij,ej->ei', We, h_j)
        # aggregate: scatter-add over destination nodes
        aggr = jax.ops.segment_sum(msg, dst, num_segments=N)
        # update: GRU cell
        h = _gru_cell(aggr, h, Wih, Whh, bih, bhh)
    return h

if __name__ == "__main__":
    import jax
    _d = setup_inputs()
    print(jax.jit(kernel)(*tuple(_d.values())))

</pallas_src>

<mosaic_0001>
#map = affine_map<(d0, d1) -> (0, 0)>
module attributes {stable_mosaic.version = 14 : i64} {
  func.func @k(%arg0: i32, %arg1: i32, %arg2: memref<160000x32xf32, #tpu.memory_space<hbm>>, %arg3: memref<1250x128xi32, #tpu.memory_space<hbm>>, %arg4: memref<10240x32xf32, #tpu.memory_space<hbm>>, %arg5: memref<20480x32xf32, #tpu.memory_space<hbm>>, %arg6: memref<10240x32xf32, #tpu.memory_space<vmem_shared>>, %arg7: memref<128xi32, #tpu.memory_space<vmem>>, %arg8: memref<128x32xf32, #tpu.memory_space<vmem>>) attributes {dimension_semantics = [#tpu.dimension_semantics<core_parallel>, #tpu.dimension_semantics<subcore_parallel>], iteration_bounds = array<i64: 2, 16>, scalar_prefetch = 0 : i64, scratch_operands = 3 : i64, tpu.core_type = #tpu.core_type<sc_vector_subcore>, window_params = [{transform_indices = #map}, {transform_indices = #map}, {transform_indices = #map}, {transform_indices = #map}]} {
    %mul3A = arith.constant 640 : i32
    %mul3A_0 = arith.muli %arg1, %mul3A : i32
    "tpu.region"() ({
      %run_scoped3A = tpu.sem_alloc : memref<!tpu.dma_semaphore, #tpu.memory_space<semaphore_mem>>
      %dma_start3A = arith.constant 0 : i32
      %dma_start3A_13 = tpu.memref_slice %arg6[%mul3A_0, %dma_start3A] : memref<10240x32xf32, #tpu.memory_space<vmem_shared>> -> memref<640x32xf32, #tpu.memory_space<vmem_shared>>
      %dma_start3A_14 = arith.constant 0 : i32
      %dma_start3A_15 = tpu.memref_slice %arg4[%mul3A_0, %dma_start3A_14] : memref<10240x32xf32, #tpu.memory_space<hbm>> -> memref<640x32xf32, #tpu.memory_space<hbm>>
      tpu.enqueue_dma source(%dma_start3A_15 : memref<640x32xf32, #tpu.memory_space<hbm>>) target(%dma_start3A_13 : memref<640x32xf32, #tpu.memory_space<vmem_shared>>) target_semaphore(%run_scoped3A : memref<!tpu.dma_semaphore, #tpu.memory_space<semaphore_mem>>)
      %dma_wait3A = arith.constant 0 : i32
      %dma_wait3A_16 = tpu.memref_slice %arg6[%mul3A_0, %dma_wait3A] : memref<10240x32xf32, #tpu.memory_space<vmem_shared>> -> memref<640x32xf32, #tpu.memory_space<vmem_shared>>
      %dma_wait3A_17 = arith.constant 0 : i32
      %dma_wait3A_18 = tpu.memref_slice %arg4[%mul3A_0, %dma_wait3A_17] : memref<10240x32xf32, #tpu.memory_space<hbm>> -> memref<640x32xf32, #tpu.memory_space<hbm>>
      tpu.wait_dma2 semaphore(%run_scoped3A : memref<!tpu.dma_semaphore, #tpu.memory_space<semaphore_mem>>) src(%dma_wait3A_18 : memref<640x32xf32, #tpu.memory_space<hbm>>) dst(%dma_wait3A_16 : memref<640x32xf32, #tpu.memory_space<vmem_shared>>)
      tpu.yield
    }) : () -> ()
    %barrier3A = arith.constant 0 : index
    tpu.barrier barrier_id(%barrier3A)
    %mul3A_1 = arith.constant 625 : i32
    %mul3A_2 = arith.muli %arg0, %mul3A_1 : i32
    %scan3A = arith.constant 0 : i32
    %scan3A_3 = arith.constant 0 : i32
    %scan3A_4 = arith.constant 40 : i32
    %scan3A_5 = arith.addi %scan3A_3, %scan3A_4 : i32
    %scan3A_6 = arith.constant 1 : i32
    scf.for %scan3A_13 = %scan3A_3 to %scan3A_5 step %scan3A_6  : i32 {
      %mul3A_14 = arith.constant 16 : i32
      %mul3A_15 = arith.muli %scan3A_13, %mul3A_14 : i32
      %add3A_16 = arith.addi %arg1, %mul3A_15 : i32
      %lt3A = arith.constant 625 : i32
      %lt3A_17 = arith.cmpi slt, %add3A_16, %lt3A : i32
      %convert_element_type3A = arith.extui %lt3A_17 : i1 to i32
      %cond3A = arith.constant 0 : i32
      %cond3A_18 = arith.cmpi ne, %convert_element_type3A, %cond3A : i32
      scf.if %cond3A_18 {
        %add3A_19 = arith.addi %mul3A_2, %add3A_16 : i32
        "tpu.region"() ({
          %run_scoped3A = tpu.sem_alloc : memref<!tpu.dma_semaphore, #tpu.memory_space<semaphore_mem>>
          %dma_start3A = arith.constant 0 : i32
          %dma_start3A_22 = tpu.memref_slice %arg3[%add3A_19, %dma_start3A] : memref<1250x128xi32, #tpu.memory_space<hbm>> -> memref<1x128xi32, #tpu.memory_space<hbm>>
          %dma_start3A_23 = tpu.memref_squeeze %dma_start3A_22 : memref<1x128xi32, #tpu.memory_space<hbm>> -> memref<128xi32, #tpu.memory_space<hbm>>
          %dma_start3A_24 = arith.constant 0 : i32
          %dma_start3A_25 = tpu.memref_slice %arg3[%add3A_19, %dma_start3A_24] : memref<1250x128xi32, #tpu.memory_space<hbm>> -> memref<1x128xi32, #tpu.memory_space<hbm>>
          %dma_start3A_26 = tpu.memref_squeeze %dma_start3A_25 : memref<1x128xi32, #tpu.memory_space<hbm>> -> memref<128xi32, #tpu.memory_space<hbm>>
          tpu.enqueue_dma source(%dma_start3A_26 : memref<128xi32, #tpu.memory_space<hbm>>) target(%arg7 : memref<128xi32, #tpu.memory_space<vmem>>) target_semaphore(%run_scoped3A : memref<!tpu.dma_semaphore, #tpu.memory_space<semaphore_mem>>)
          %dma_wait3A = arith.constant 0 : i32
          %dma_wait3A_27 = tpu.memref_slice %arg3[%add3A_19, %dma_wait3A] : memref<1250x128xi32, #tpu.memory_space<hbm>> -> memref<1x128xi32, #tpu.memory_space<hbm>>
          %dma_wait3A_28 = tpu.memref_squeeze %dma_wait3A_27 : memref<1x128xi32, #tpu.memory_space<hbm>> -> memref<128xi32, #tpu.memory_space<hbm>>
          %dma_wait3A_29 = arith.constant 0 : i32
          %dma_wait3A_30 = tpu.memref_slice %arg3[%add3A_19, %dma_wait3A_29] : memref<1250x128xi32, #tpu.memory_space<hbm>> -> memref<1x128xi32, #tpu.memory_space<hbm>>
          %dma_wait3A_31 = tpu.memref_squeeze %dma_wait3A_30 : memref<1x128xi32, #tpu.memory_space<hbm>> -> memref<128xi32, #tpu.memory_space<hbm>>
          tpu.wait_dma2 semaphore(%run_scoped3A : memref<!tpu.dma_semaphore, #tpu.memory_space<semaphore_mem>>) src(%dma_wait3A_31 : memref<128xi32, #tpu.memory_space<hbm>>) dst(%arg7 : memref<128xi32, #tpu.memory_space<vmem>>)
          tpu.yield
        }) : () -> ()
        %mul3A_20 = arith.constant 128 : i32
        %mul3A_21 = arith.muli %add3A_19, %mul3A_20 : i32
        "tpu.region"() ({
          %run_scoped3A = tpu.sem_alloc : memref<!tpu.dma_semaphore, #tpu.memory_space<semaphore_mem>>
          %dma_start3A = arith.constant 0 : i32
          %dma_start3A_22 = tpu.memref_slice %arg2[%mul3A_21, %dma_start3A] : memref<160000x32xf32, #tpu.memory_space<hbm>> -> memref<128x32xf32, #tpu.memory_space<hbm>>
          %dma_start3A_23 = arith.constant 0 : i32
          %dma_start3A_24 = tpu.memref_slice %arg2[%mul3A_21, %dma_start3A_23] : memref<160000x32xf32, #tpu.memory_space<hbm>> -> memref<128x32xf32, #tpu.memory_space<hbm>>
          tpu.enqueue_dma source(%dma_start3A_24 : memref<128x32xf32, #tpu.memory_space<hbm>>) target(%arg8 : memref<128x32xf32, #tpu.memory_space<vmem>>) target_semaphore(%run_scoped3A : memref<!tpu.dma_semaphore, #tpu.memory_space<semaphore_mem>>)
          %dma_wait3A = arith.constant 0 : i32
          %dma_wait3A_25 = tpu.memref_slice %arg2[%mul3A_21, %dma_wait3A] : memref<160000x32xf32, #tpu.memory_space<hbm>> -> memref<128x32xf32, #tpu.memory_space<hbm>>
          %dma_wait3A_26 = arith.constant 0 : i32
          %dma_wait3A_27 = tpu.memref_slice %arg2[%mul3A_21, %dma_wait3A_26] : memref<160000x32xf32, #tpu.memory_space<hbm>> -> memref<128x32xf32, #tpu.memory_space<hbm>>
          tpu.wait_dma2 semaphore(%run_scoped3A : memref<!tpu.dma_semaphore, #tpu.memory_space<semaphore_mem>>) src(%dma_wait3A_27 : memref<128x32xf32, #tpu.memory_space<hbm>>) dst(%arg8 : memref<128x32xf32, #tpu.memory_space<vmem>>)
          tpu.yield
        }) : () -> ()
        "tpu.region"() ({
          %run_scoped3A = tpu.sem_alloc : memref<!tpu.dma_semaphore, #tpu.memory_space<semaphore_mem>>
          %dma_start3A = arith.constant 0 : i32
          %dma_start3A_22 = arith.constant 0 : i32
          %dma_start3A_23 = tpu.memref_slice %arg6[%dma_start3A, %dma_start3A_22] : memref<10240x32xf32, #tpu.memory_space<vmem_shared>> -> memref<10240x32xf32, #tpu.memory_space<vmem_shared>>
          tpu.enqueue_indirect_dma source(%arg8 : memref<128x32xf32, #tpu.memory_space<vmem>>) target(%dma_start3A_23 : memref<10240x32xf32, #tpu.memory_space<vmem_shared>>) offsets(%arg7 : memref<128xi32, #tpu.memory_space<vmem>>) semaphore(%run_scoped3A : memref<!tpu.dma_semaphore, #tpu.memory_space<semaphore_mem>>) {add = true}
          %dma_wait3A = arith.constant 0 : i32
          %dma_wait3A_24 = arith.constant 0 : i32
          %dma_wait3A_25 = tpu.memref_slice %arg6[%dma_wait3A, %dma_wait3A_24] : memref<10240x32xf32, #tpu.memory_space<vmem_shared>> -> memref<10240x32xf32, #tpu.memory_space<vmem_shared>>
          tpu.wait_indirect_dma semaphore(%run_scoped3A : memref<!tpu.dma_semaphore, #tpu.memory_space<semaphore_mem>>) src(%arg8 : memref<128x32xf32, #tpu.memory_space<vmem>>) dst(%dma_wait3A_25 : memref<10240x32xf32, #tpu.memory_space<vmem_shared>>)
          tpu.yield
        }) : () -> ()
      } else {
      }
    }
    %scan3A_7 = arith.constant 40 : i32
    %barrier3A_8 = arith.constant 0 : index
    tpu.barrier barrier_id(%barrier3A_8)
    %mul3A_9 = arith.constant 10240 : i32
    %mul3A_10 = arith.muli %arg0, %mul3A_9 : i32
    %mul3A_11 = arith.constant 640 : i32
    %mul3A_12 = arith.muli %arg1, %mul3A_11 : i32
    %add3A = arith.addi %mul3A_10, %mul3A_12 : i32
    "tpu.region"() ({
      %run_scoped3A = tpu.sem_alloc : memref<!tpu.dma_semaphore, #tpu.memory_space<semaphore_mem>>
      %dma_start3A = arith.constant 0 : i32
      %dma_start3A_13 = tpu.memref_slice %arg5[%add3A, %dma_start3A] : memref<20480x32xf32, #tpu.memory_space<hbm>> -> memref<640x32xf32, #tpu.memory_space<hbm>>
      %dma_start3A_14 = arith.constant 0 : i32
      %dma_start3A_15 = tpu.memref_slice %arg6[%mul3A_0, %dma_start3A_14] : memref<10240x32xf32, #tpu.memory_space<vmem_shared>> -> memref<640x32xf32, #tpu.memory_space<vmem_shared>>
      tpu.enqueue_dma source(%dma_start3A_15 : memref<640x32xf32, #tpu.memory_space<vmem_shared>>) target(%dma_start3A_13 : memref<640x32xf32, #tpu.memory_space<hbm>>) target_semaphore(%run_scoped3A : memref<!tpu.dma_semaphore, #tpu.memory_space<semaphore_mem>>)
      %dma_wait3A = arith.constant 0 : i32
      %dma_wait3A_16 = tpu.memref_slice %arg5[%add3A, %dma_wait3A] : memref<20480x32xf32, #tpu.memory_space<hbm>> -> memref<640x32xf32, #tpu.memory_space<hbm>>
      %dma_wait3A_17 = arith.constant 0 : i32
      %dma_wait3A_18 = tpu.memref_slice %arg6[%mul3A_0, %dma_wait3A_17] : memref<10240x32xf32, #tpu.memory_space<vmem_shared>> -> memref<640x32xf32, #tpu.memory_space<vmem_shared>>
      tpu.wait_dma2 semaphore(%run_scoped3A : memref<!tpu.dma_semaphore, #tpu.memory_space<semaphore_mem>>) src(%dma_wait3A_18 : memref<640x32xf32, #tpu.memory_space<vmem_shared>>) dst(%dma_wait3A_16 : memref<640x32xf32, #tpu.memory_space<hbm>>)
      tpu.yield
    }) : () -> ()
    return
  }
}

#map = affine_map<(d0, d1) -> (0, 0)>
module attributes {stable_mosaic.version = 14 : i64} {
  func.func @k(%arg0: i32, %arg1: i32, %arg2: memref<10240x32xf32, #tpu.memory_space<hbm>>, %arg3: memref<1250x128xi32, #tpu.memory_space<hbm>>, %arg4: memref<160000x32xf32, #tpu.memory_space<hbm>>, %arg5: memref<128xi32, #tpu.memory_space<vmem>>, %arg6: memref<128x32xf32, #tpu.memory_space<vmem>>, %arg7: memref<!tpu.dma_semaphore, #tpu.memory_space<semaphore_mem>>) attributes {dimension_semantics = [#tpu.dimension_semantics<core_parallel>, #tpu.dimension_semantics<subcore_parallel>], iteration_bounds = array<i64: 2, 16>, scalar_prefetch = 0 : i64, scratch_operands = 3 : i64, tpu.core_type = #tpu.core_type<sc_vector_subcore>, window_params = [{transform_indices = #map}, {transform_indices = #map}, {transform_indices = #map}]} {
    %mul3A = arith.constant 2 : i32
    %mul3A_0 = arith.muli %arg1, %mul3A : i32
    %add3A = arith.addi %mul3A_0, %arg0 : i32
    %scan3A = arith.constant 0 : i32
    %scan3A_1 = arith.constant 0 : i32
    %scan3A_2 = arith.constant 40 : i32
    %scan3A_3 = arith.addi %scan3A_1, %scan3A_2 : i32
    %scan3A_4 = arith.constant 1 : i32
    scf.for %scan3A_6 = %scan3A_1 to %scan3A_3 step %scan3A_4  : i32 {
      %mul3A_7 = arith.constant 32 : i32
      %mul3A_8 = arith.muli %scan3A_6, %mul3A_7 : i32
      %add3A_9 = arith.addi %add3A, %mul3A_8 : i32
      %lt3A = arith.constant 1250 : i32
      %lt3A_10 = arith.cmpi slt, %add3A_9, %lt3A : i32
      %convert_element_type3A = arith.extui %lt3A_10 : i1 to i32
      %cond3A = arith.constant 0 : i32
      %cond3A_11 = arith.cmpi ne, %convert_element_type3A, %cond3A : i32
      scf.if %cond3A_11 {
        "tpu.region"() ({
          %run_scoped3A = tpu.sem_alloc : memref<!tpu.dma_semaphore, #tpu.memory_space<semaphore_mem>>
          %dma_start3A_18 = arith.constant 0 : i32
          %dma_start3A_19 = tpu.memref_slice %arg3[%add3A_9, %dma_start3A_18] : memref<1250x128xi32, #tpu.memory_space<hbm>> -> memref<1x128xi32, #tpu.memory_space<hbm>>
          %dma_start3A_20 = tpu.memref_squeeze %dma_start3A_19 : memref<1x128xi32, #tpu.memory_space<hbm>> -> memref<128xi32, #tpu.memory_space<hbm>>
          %dma_start3A_21 = arith.constant 0 : i32
          %dma_start3A_22 = tpu.memref_slice %arg3[%add3A_9, %dma_start3A_21] : memref<1250x128xi32, #tpu.memory_space<hbm>> -> memref<1x128xi32, #tpu.memory_space<hbm>>
          %dma_start3A_23 = tpu.memref_squeeze %dma_start3A_22 : memref<1x128xi32, #tpu.memory_space<hbm>> -> memref<128xi32, #tpu.memory_space<hbm>>
          tpu.enqueue_dma source(%dma_start3A_23 : memref<128xi32, #tpu.memory_space<hbm>>) target(%arg5 : memref<128xi32, #tpu.memory_space<vmem>>) target_semaphore(%run_scoped3A : memref<!tpu.dma_semaphore, #tpu.memory_space<semaphore_mem>>)
          %dma_wait3A_24 = arith.constant 0 : i32
          %dma_wait3A_25 = tpu.memref_slice %arg3[%add3A_9, %dma_wait3A_24] : memref<1250x128xi32, #tpu.memory_space<hbm>> -> memref<1x128xi32, #tpu.memory_space<hbm>>
          %dma_wait3A_26 = tpu.memref_squeeze %dma_wait3A_25 : memref<1x128xi32, #tpu.memory_space<hbm>> -> memref<128xi32, #tpu.memory_space<hbm>>
          %dma_wait3A_27 = arith.constant 0 : i32
          %dma_wait3A_28 = tpu.memref_slice %arg3[%add3A_9, %dma_wait3A_27] : memref<1250x128xi32, #tpu.memory_space<hbm>> -> memref<1x128xi32, #tpu.memory_space<hbm>>
          %dma_wait3A_29 = tpu.memref_squeeze %dma_wait3A_28 : memref<1x128xi32, #tpu.memory_space<hbm>> -> memref<128xi32, #tpu.memory_space<hbm>>
          tpu.wait_dma2 semaphore(%run_scoped3A : memref<!tpu.dma_semaphore, #tpu.memory_space<semaphore_mem>>) src(%dma_wait3A_29 : memref<128xi32, #tpu.memory_space<hbm>>) dst(%arg5 : memref<128xi32, #tpu.memory_space<vmem>>)
          tpu.yield
        }) : () -> ()
        %dma_start3A = arith.constant 0 : i32
        %dma_start3A_12 = arith.constant 0 : i32
        %dma_start3A_13 = tpu.memref_slice %arg2[%dma_start3A, %dma_start3A_12] : memref<10240x32xf32, #tpu.memory_space<hbm>> -> memref<10240x32xf32, #tpu.memory_space<hbm>>
        tpu.enqueue_indirect_dma source(%dma_start3A_13 : memref<10240x32xf32, #tpu.memory_space<hbm>>) target(%arg6 : memref<128x32xf32, #tpu.memory_space<vmem>>) offsets(%arg5 : memref<128xi32, #tpu.memory_space<vmem>>) semaphore(%arg7 : memref<!tpu.dma_semaphore, #tpu.memory_space<semaphore_mem>>)
        %dma_wait3A = arith.constant 0 : i32
        %dma_wait3A_14 = arith.constant 0 : i32
        %dma_wait3A_15 = tpu.memref_slice %arg2[%dma_wait3A, %dma_wait3A_14] : memref<10240x32xf32, #tpu.memory_space<hbm>> -> memref<10240x32xf32, #tpu.memory_space<hbm>>
        tpu.wait_indirect_dma semaphore(%arg7 : memref<!tpu.dma_semaphore, #tpu.memory_space<semaphore_mem>>) src(%dma_wait3A_15 : memref<10240x32xf32, #tpu.memory_space<hbm>>) dst(%arg6 : memref<128x32xf32, #tpu.memory_space<vmem>>)
        %mul3A_16 = arith.constant 128 : i32
        %mul3A_17 = arith.muli %add3A_9, %mul3A_16 : i32
        "tpu.region"() ({
          %run_scoped3A = tpu.sem_alloc : memref<!tpu.dma_semaphore, #tpu.memory_space<semaphore_mem>>
          %dma_start3A_18 = arith.constant 0 : i32
          %dma_start3A_19 = tpu.memref_slice %arg4[%mul3A_17, %dma_start3A_18] : memref<160000x32xf32, #tpu.memory_space<hbm>> -> memref<128x32xf32, #tpu.memory_space<hbm>>
          %dma_start3A_20 = arith.constant 0 : i32
          %dma_start3A_21 = tpu.memref_slice %arg4[%mul3A_17, %dma_start3A_20] : memref<160000x32xf32, #tpu.memory_space<hbm>> -> memref<128x32xf32, #tpu.memory_space<hbm>>
          tpu.enqueue_dma source(%arg6 : memref<128x32xf32, #tpu.memory_space<vmem>>) target(%dma_start3A_21 : memref<128x32xf32, #tpu.memory_space<hbm>>) target_semaphore(%run_scoped3A : memref<!tpu.dma_semaphore, #tpu.memory_space<semaphore_mem>>)
          %dma_wait3A_22 = arith.constant 0 : i32
          %dma_wait3A_23 = tpu.memref_slice %arg4[%mul3A_17, %dma_wait3A_22] : memref<160000x32xf32, #tpu.memory_space<hbm>> -> memref<128x32xf32, #tpu.memory_space<hbm>>
          %dma_wait3A_24 = arith.constant 0 : i32
          %dma_wait3A_25 = tpu.memref_slice %arg4[%mul3A_17, %dma_wait3A_24] : memref<160000x32xf32, #tpu.memory_space<hbm>> -> memref<128x32xf32, #tpu.memory_space<hbm>>
          tpu.wait_dma2 semaphore(%run_scoped3A : memref<!tpu.dma_semaphore, #tpu.memory_space<semaphore_mem>>) src(%arg6 : memref<128x32xf32, #tpu.memory_space<vmem>>) dst(%dma_wait3A_25 : memref<128x32xf32, #tpu.memory_space<hbm>>)
          tpu.yield
        }) : () -> ()
      } else {
      }
    }
    %scan3A_5 = arith.constant 40 : i32
    return
  }
}

#map = affine_map<(d0, d1) -> (0, 0)>
module attributes {stable_mosaic.version = 14 : i64} {
  func.func @k(%arg0: i32, %arg1: i32, %arg2: memref<10240x32xf32, #tpu.memory_space<hbm>>, %arg3: memref<1250x128xi32, #tpu.memory_space<hbm>>, %arg4: memref<160000x32xf32, #tpu.memory_space<hbm>>, %arg5: memref<128xi32, #tpu.memory_space<vmem>>, %arg6: memref<128x32xf32, #tpu.memory_space<vmem>>, %arg7: memref<!tpu.dma_semaphore, #tpu.memory_space<semaphore_mem>>) attributes {dimension_semantics = [#tpu.dimension_semantics<core_parallel>, #tpu.dimension_semantics<subcore_parallel>], iteration_bounds = array<i64: 2, 16>, scalar_prefetch = 0 : i64, scratch_operands = 3 : i64, tpu.core_type = #tpu.core_type<sc_vector_subcore>, window_params = [{transform_indices = #map}, {transform_indices = #map}, {transform_indices = #map}]} {
    %mul3A = arith.constant 2 : i32
    %mul3A_0 = arith.muli %arg1, %mul3A : i32
    %add3A = arith.addi %mul3A_0, %arg0 : i32
    %scan3A = arith.constant 0 : i32
    %scan3A_1 = arith.constant 0 : i32
    %scan3A_2 = arith.constant 40 : i32
    %scan3A_3 = arith.addi %scan3A_1, %scan3A_2 : i32
    %scan3A_4 = arith.constant 1 : i32
    scf.for %scan3A_6 = %scan3A_1 to %scan3A_3 step %scan3A_4  : i32 {
      %mul3A_7 = arith.constant 32 : i32
      %mul3A_8 = arith.muli %scan3A_6, %mul3A_7 : i32
      %add3A_9 = arith.addi %add3A, %mul3A_8 : i32
      %lt3A = arith.constant 1250 : i32
      %lt3A_10 = arith.cmpi slt, %add3A_9, %lt3A : i32
      %convert_element_type3A = arith.extui %lt3A_10 : i1 to i32
      %cond3A = arith.constant 0 : i32
      %cond3A_11 = arith.cmpi ne, %convert_element_type3A, %cond3A : i32
      scf.if %cond3A_11 {
        "tpu.region"() ({
          %run_scoped3A = tpu.sem_alloc : memref<!tpu.dma_semaphore, #tpu.memory_space<semaphore_mem>>
          %dma_start3A_18 = arith.constant 0 : i32
          %dma_start3A_19 = tpu.memref_slice %arg3[%add3A_9, %dma_start3A_18] : memref<1250x128xi32, #tpu.memory_space<hbm>> -> memref<1x128xi32, #tpu.memory_space<hbm>>
          %dma_start3A_20 = tpu.memref_squeeze %dma_start3A_19 : memref<1x128xi32, #tpu.memory_space<hbm>> -> memref<128xi32, #tpu.memory_space<hbm>>
          %dma_start3A_21 = arith.constant 0 : i32
          %dma_start3A_22 = tpu.memref_slice %arg3[%add3A_9, %dma_start3A_21] : memref<1250x128xi32, #tpu.memory_space<hbm>> -> memref<1x128xi32, #tpu.memory_space<hbm>>
          %dma_start3A_23 = tpu.memref_squeeze %dma_start3A_22 : memref<1x128xi32, #tpu.memory_space<hbm>> -> memref<128xi32, #tpu.memory_space<hbm>>
          tpu.enqueue_dma source(%dma_start3A_23 : memref<128xi32, #tpu.memory_space<hbm>>) target(%arg5 : memref<128xi32, #tpu.memory_space<vmem>>) target_semaphore(%run_scoped3A : memref<!tpu.dma_semaphore, #tpu.memory_space<semaphore_mem>>)
          %dma_wait3A_24 = arith.constant 0 : i32
          %dma_wait3A_25 = tpu.memref_slice %arg3[%add3A_9, %dma_wait3A_24] : memref<1250x128xi32, #tpu.memory_space<hbm>> -> memref<1x128xi32, #tpu.memory_space<hbm>>
          %dma_wait3A_26 = tpu.memref_squeeze %dma_wait3A_25 : memref<1x128xi32, #tpu.memory_space<hbm>> -> memref<128xi32, #tpu.memory_space<hbm>>
          %dma_wait3A_27 = arith.constant 0 : i32
          %dma_wait3A_28 = tpu.memref_slice %arg3[%add3A_9, %dma_wait3A_27] : memref<1250x128xi32, #tpu.memory_space<hbm>> -> memref<1x128xi32, #tpu.memory_space<hbm>>
          %dma_wait3A_29 = tpu.memref_squeeze %dma_wait3A_28 : memref<1x128xi32, #tpu.memory_space<hbm>> -> memref<128xi32, #tpu.memory_space<hbm>>
          tpu.wait_dma2 semaphore(%run_scoped3A : memref<!tpu.dma_semaphore, #tpu.memory_space<semaphore_mem>>) src(%dma_wait3A_29 : memref<128xi32, #tpu.memory_space<hbm>>) dst(%arg5 : memref<128xi32, #tpu.memory_space<vmem>>)
          tpu.yield
        }) : () -> ()
        %dma_start3A = arith.constant 0 : i32
        %dma_start3A_12 = arith.constant 0 : i32
        %dma_start3A_13 = tpu.memref_slice %arg2[%dma_start3A, %dma_start3A_12] : memref<10240x32xf32, #tpu.memory_space<hbm>> -> memref<10240x32xf32, #tpu.memory_space<hbm>>
        tpu.enqueue_indirect_dma source(%dma_start3A_13 : memref<10240x32xf32, #tpu.memory_space<hbm>>) target(%arg6 : memref<128x32xf32, #tpu.memory_space<vmem>>) offsets(%arg5 : memref<128xi32, #tpu.memory_space<vmem>>) semaphore(%arg7 : memref<!tpu.dma_semaphore, #tpu.memory_space<semaphore_mem>>)
        %dma_wait3A = arith.constant 0 : i32
        %dma_wait3A_14 = arith.constant 0 : i32
        %dma_wait3A_15 = tpu.memref_slice %arg2[%dma_wait3A, %dma_wait3A_14] : memref<10240x32xf32, #tpu.memory_space<hbm>> -> memref<10240x32xf32, #tpu.memory_space<hbm>>
        tpu.wait_indirect_dma semaphore(%arg7 : memref<!tpu.dma_semaphore, #tpu.memory_space<semaphore_mem>>) src(%dma_wait3A_15 : memref<10240x32xf32, #tpu.memory_space<hbm>>) dst(%arg6 : memref<128x32xf32, #tpu.memory_space<vmem>>)
        %mul3A_16 = arith.constant 128 : i32
        %mul3A_17 = arith.muli %add3A_9, %mul3A_16 : i32
        "tpu.region"() ({
          %run_scoped3A = tpu.sem_alloc : memref<!tpu.dma_semaphore, #tpu.memory_space<semaphore_mem>>
          %dma_start3A_18 = arith.constant 0 : i32
          %dma_start3A_19 = tpu.memref_slice %arg4[%mul3A_17, %dma_start3A_18] : memref<160000x32xf32, #tpu.memory_space<hbm>> -> memref<128x32xf32, #tpu.memory_space<hbm>>
          %dma_start3A_20 = arith.constant 0 : i32
          %dma_start3A_21 = tpu.memref_slice %arg4[%mul3A_17, %dma_start3A_20] : memref<160000x32xf32, #tpu.memory_space<hbm>> -> memref<128x32xf32, #tpu.memory_space<hbm>>
          tpu.enqueue_dma source(%arg6 : memref<128x32xf32, #tpu.memory_space<vmem>>) target(%dma_start3A_21 : memref<128x32xf32, #tpu.memory_space<hbm>>) target_semaphore(%run_scoped3A : memref<!tpu.dma_semaphore, #tpu.memory_space<semaphore_mem>>)
          %dma_wait3A_22 = arith.constant 0 : i32
          %dma_wait3A_23 = tpu.memref_slice %arg4[%mul3A_17, %dma_wait3A_22] : memref<160000x32xf32, #tpu.memory_space<hbm>> -> memref<128x32xf32, #tpu.memory_space<hbm>>
          %dma_wait3A_24 = arith.constant 0 : i32
          %dma_wait3A_25 = tpu.memref_slice %arg4[%mul3A_17, %dma_wait3A_24] : memref<160000x32xf32, #tpu.memory_space<hbm>> -> memref<128x32xf32, #tpu.memory_space<hbm>>
          tpu.wait_dma2 semaphore(%run_scoped3A : memref<!tpu.dma_semaphore, #tpu.memory_space<semaphore_mem>>) src(%arg6 : memref<128x32xf32, #tpu.memory_space<vmem>>) dst(%dma_wait3A_25 : memref<128x32xf32, #tpu.memory_space<hbm>>)
          tpu.yield
        }) : () -> ()
      } else {
      }
    }
    %scan3A_5 = arith.constant 40 : i32
    return
  }
}

#map = affine_map<(d0, d1) -> (0, 0)>
module attributes {stable_mosaic.version = 14 : i64} {
  func.func @k(%arg0: i32, %arg1: i32, %arg2: memref<160000x32xf32, #tpu.memory_space<hbm>>, %arg3: memref<1250x128xi32, #tpu.memory_space<hbm>>, %arg4: memref<10240x32xf32, #tpu.memory_space<hbm>>, %arg5: memref<20480x32xf32, #tpu.memory_space<hbm>>, %arg6: memref<10240x32xf32, #tpu.memory_space<vmem_shared>>, %arg7: memref<128xi32, #tpu.memory_space<vmem>>, %arg8: memref<128x32xf32, #tpu.memory_space<vmem>>) attributes {dimension_semantics = [#tpu.dimension_semantics<core_parallel>, #tpu.dimension_semantics<subcore_parallel>], iteration_bounds = array<i64: 2, 16>, scalar_prefetch = 0 : i64, scratch_operands = 3 : i64, tpu.core_type = #tpu.core_type<sc_vector_subcore>, window_params = [{transform_indices = #map}, {transform_indices = #map}, {transform_indices = #map}, {transform_indices = #map}]} {
    %mul3A = arith.constant 640 : i32
    %mul3A_0 = arith.muli %arg1, %mul3A : i32
    "tpu.region"() ({
      %run_scoped3A = tpu.sem_alloc : memref<!tpu.dma_semaphore, #tpu.memory_space<semaphore_mem>>
      %dma_start3A = arith.constant 0 : i32
      %dma_start3A_13 = tpu.memref_slice %arg6[%mul3A_0, %dma_start3A] : memref<10240x32xf32, #tpu.memory_space<vmem_shared>> -> memref<640x32xf32, #tpu.memory_space<vmem_shared>>
      %dma_start3A_14 = arith.constant 0 : i32
      %dma_start3A_15 = tpu.memref_slice %arg4[%mul3A_0, %dma_start3A_14] : memref<10240x32xf32, #tpu.memory_space<hbm>> -> memref<640x32xf32, #tpu.memory_space<hbm>>
      tpu.enqueue_dma source(%dma_start3A_15 : memref<640x32xf32, #tpu.memory_space<hbm>>) target(%dma_start3A_13 : memref<640x32xf32, #tpu.memory_space<vmem_shared>>) target_semaphore(%run_scoped3A : memref<!tpu.dma_semaphore, #tpu.memory_space<semaphore_mem>>)
      %dma_wait3A = arith.constant 0 : i32
      %dma_wait3A_16 = tpu.memref_slice %arg6[%mul3A_0, %dma_wait3A] : memref<10240x32xf32, #tpu.memory_space<vmem_shared>> -> memref<640x32xf32, #tpu.memory_space<vmem_shared>>
      %dma_wait3A_17 = arith.constant 0 : i32
      %dma_wait3A_18 = tpu.memref_slice %arg4[%mul3A_0, %dma_wait3A_17] : memref<10240x32xf32, #tpu.memory_space<hbm>> -> memref<640x32xf32, #tpu.memory_space<hbm>>
      tpu.wait_dma2 semaphore(%run_scoped3A : memref<!tpu.dma_semaphore, #tpu.memory_space<semaphore_mem>>) src(%dma_wait3A_18 : memref<640x32xf32, #tpu.memory_space<hbm>>) dst(%dma_wait3A_16 : memref<640x32xf32, #tpu.memory_space<vmem_shared>>)
      tpu.yield
    }) : () -> ()
    %barrier3A = arith.constant 0 : index
    tpu.barrier barrier_id(%barrier3A)
    %mul3A_1 = arith.constant 625 : i32
    %mul3A_2 = arith.muli %arg0, %mul3A_1 : i32
    %scan3A = arith.constant 0 : i32
    %scan3A_3 = arith.constant 0 : i32
    %scan3A_4 = arith.constant 40 : i32
    %scan3A_5 = arith.addi %scan3A_3, %scan3A_4 : i32
    %scan3A_6 = arith.constant 1 : i32
    scf.for %scan3A_13 = %scan3A_3 to %scan3A_5 step %scan3A_6  : i32 {
      %mul3A_14 = arith.constant 16 : i32
      %mul3A_15 = arith.muli %scan3A_13, %mul3A_14 : i32
      %add3A_16 = arith.addi %arg1, %mul3A_15 : i32
      %lt3A = arith.constant 625 : i32
      %lt3A_17 = arith.cmpi slt, %add3A_16, %lt3A : i32
      %convert_element_type3A = arith.extui %lt3A_17 : i1 to i32
      %cond3A = arith.constant 0 : i32
      %cond3A_18 = arith.cmpi ne, %convert_element_type3A, %cond3A : i32
      scf.if %cond3A_18 {
        %add3A_19 = arith.addi %mul3A_2, %add3A_16 : i32
        "tpu.region"() ({
          %run_scoped3A = tpu.sem_alloc : memref<!tpu.dma_semaphore, #tpu.memory_space<semaphore_mem>>
          %dma_start3A = arith.constant 0 : i32
          %dma_start3A_22 = tpu.memref_slice %arg3[%add3A_19, %dma_start3A] : memref<1250x128xi32, #tpu.memory_space<hbm>> -> memref<1x128xi32, #tpu.memory_space<hbm>>
          %dma_start3A_23 = tpu.memref_squeeze %dma_start3A_22 : memref<1x128xi32, #tpu.memory_space<hbm>> -> memref<128xi32, #tpu.memory_space<hbm>>
          %dma_start3A_24 = arith.constant 0 : i32
          %dma_start3A_25 = tpu.memref_slice %arg3[%add3A_19, %dma_start3A_24] : memref<1250x128xi32, #tpu.memory_space<hbm>> -> memref<1x128xi32, #tpu.memory_space<hbm>>
          %dma_start3A_26 = tpu.memref_squeeze %dma_start3A_25 : memref<1x128xi32, #tpu.memory_space<hbm>> -> memref<128xi32, #tpu.memory_space<hbm>>
          tpu.enqueue_dma source(%dma_start3A_26 : memref<128xi32, #tpu.memory_space<hbm>>) target(%arg7 : memref<128xi32, #tpu.memory_space<vmem>>) target_semaphore(%run_scoped3A : memref<!tpu.dma_semaphore, #tpu.memory_space<semaphore_mem>>)
          %dma_wait3A = arith.constant 0 : i32
          %dma_wait3A_27 = tpu.memref_slice %arg3[%add3A_19, %dma_wait3A] : memref<1250x128xi32, #tpu.memory_space<hbm>> -> memref<1x128xi32, #tpu.memory_space<hbm>>
          %dma_wait3A_28 = tpu.memref_squeeze %dma_wait3A_27 : memref<1x128xi32, #tpu.memory_space<hbm>> -> memref<128xi32, #tpu.memory_space<hbm>>
          %dma_wait3A_29 = arith.constant 0 : i32
          %dma_wait3A_30 = tpu.memref_slice %arg3[%add3A_19, %dma_wait3A_29] : memref<1250x128xi32, #tpu.memory_space<hbm>> -> memref<1x128xi32, #tpu.memory_space<hbm>>
          %dma_wait3A_31 = tpu.memref_squeeze %dma_wait3A_30 : memref<1x128xi32, #tpu.memory_space<hbm>> -> memref<128xi32, #tpu.memory_space<hbm>>
          tpu.wait_dma2 semaphore(%run_scoped3A : memref<!tpu.dma_semaphore, #tpu.memory_space<semaphore_mem>>) src(%dma_wait3A_31 : memref<128xi32, #tpu.memory_space<hbm>>) dst(%arg7 : memref<128xi32, #tpu.memory_space<vmem>>)
          tpu.yield
        }) : () -> ()
        %mul3A_20 = arith.constant 128 : i32
        %mul3A_21 = arith.muli %add3A_19, %mul3A_20 : i32
        "tpu.region"() ({
          %run_scoped3A = tpu.sem_alloc : memref<!tpu.dma_semaphore, #tpu.memory_space<semaphore_mem>>
          %dma_start3A = arith.constant 0 : i32
          %dma_start3A_22 = tpu.memref_slice %arg2[%mul3A_21, %dma_start3A] : memref<160000x32xf32, #tpu.memory_space<hbm>> -> memref<128x32xf32, #tpu.memory_space<hbm>>
          %dma_start3A_23 = arith.constant 0 : i32
          %dma_start3A_24 = tpu.memref_slice %arg2[%mul3A_21, %dma_start3A_23] : memref<160000x32xf32, #tpu.memory_space<hbm>> -> memref<128x32xf32, #tpu.memory_space<hbm>>
          tpu.enqueue_dma source(%dma_start3A_24 : memref<128x32xf32, #tpu.memory_space<hbm>>) target(%arg8 : memref<128x32xf32, #tpu.memory_space<vmem>>) target_semaphore(%run_scoped3A : memref<!tpu.dma_semaphore, #tpu.memory_space<semaphore_mem>>)
          %dma_wait3A = arith.constant 0 : i32
          %dma_wait3A_25 = tpu.memref_slice %arg2[%mul3A_21, %dma_wait3A] : memref<160000x32xf32, #tpu.memory_space<hbm>> -> memref<128x32xf32, #tpu.memory_space<hbm>>
          %dma_wait3A_26 = arith.constant 0 : i32
          %dma_wait3A_27 = tpu.memref_slice %arg2[%mul3A_21, %dma_wait3A_26] : memref<160000x32xf32, #tpu.memory_space<hbm>> -> memref<128x32xf32, #tpu.memory_space<hbm>>
          tpu.wait_dma2 semaphore(%run_scoped3A : memref<!tpu.dma_semaphore, #tpu.memory_space<semaphore_mem>>) src(%dma_wait3A_27 : memref<128x32xf32, #tpu.memory_space<hbm>>) dst(%arg8 : memref<128x32xf32, #tpu.memory_space<vmem>>)
          tpu.yield
        }) : () -> ()
        "tpu.region"() ({
          %run_scoped3A = tpu.sem_alloc : memref<!tpu.dma_semaphore, #tpu.memory_space<semaphore_mem>>
          %dma_start3A = arith.constant 0 : i32
          %dma_start3A_22 = arith.constant 0 : i32
          %dma_start3A_23 = tpu.memref_slice %arg6[%dma_start3A, %dma_start3A_22] : memref<10240x32xf32, #tpu.memory_space<vmem_shared>> -> memref<10240x32xf32, #tpu.memory_space<vmem_shared>>
          tpu.enqueue_indirect_dma source(%arg8 : memref<128x32xf32, #tpu.memory_space<vmem>>) target(%dma_start3A_23 : memref<10240x32xf32, #tpu.memory_space<vmem_shared>>) offsets(%arg7 : memref<128xi32, #tpu.memory_space<vmem>>) semaphore(%run_scoped3A : memref<!tpu.dma_semaphore, #tpu.memory_space<semaphore_mem>>) {add = true}
          %dma_wait3A = arith.constant 0 : i32
          %dma_wait3A_24 = arith.constant 0 : i32
          %dma_wait3A_25 = tpu.memref_slice %arg6[%dma_wait3A, %dma_wait3A_24] : memref<10240x32xf32, #tpu.memory_space<vmem_shared>> -> memref<10240x32xf32, #tpu.memory_space<vmem_shared>>
          tpu.wait_indirect_dma semaphore(%run_scoped3A : memref<!tpu.dma_semaphore, #tpu.memory_space<semaphore_mem>>) src(%arg8 : memref<128x32xf32, #tpu.memory_space<vmem>>) dst(%dma_wait3A_25 : memref<10240x32xf32, #tpu.memory_space<vmem_shared>>)
          tpu.yield
        }) : () -> ()
      } else {
      }
    }
    %scan3A_7 = arith.constant 40 : i32
    %barrier3A_8 = arith.constant 0 : index
    tpu.barrier barrier_id(%barrier3A_8)
    %mul3A_9 = arith.constant 10240 : i32
    %mul3A_10 = arith.muli %arg0, %mul3A_9 : i32
    %mul3A_11 = arith.constant 640 : i32
    %mul3A_12 = arith.muli %arg1, %mul3A_11 : i32
    %add3A = arith.addi %mul3A_10, %mul3A_12 : i32
    "tpu.region"() ({
      %run_scoped3A = tpu.sem_alloc : memref<!tpu.dma_semaphore, #tpu.memory_space<semaphore_mem>>
      %dma_start3A = arith.constant 0 : i32
      %dma_start3A_13 = tpu.memref_slice %arg5[%add3A, %dma_start3A] : memref<20480x32xf32, #tpu.memory_space<hbm>> -> memref<640x32xf32, #tpu.memory_space<hbm>>
      %dma_start3A_14 = arith.constant 0 : i32
      %dma_start3A_15 = tpu.memref_slice %arg6[%mul3A_0, %dma_start3A_14] : memref<10240x32xf32, #tpu.memory_space<vmem_shared>> -> memref<640x32xf32, #tpu.memory_space<vmem_shared>>
      tpu.enqueue_dma source(%dma_start3A_15 : memref<640x32xf32, #tpu.memory_space<vmem_shared>>) target(%dma_start3A_13 : memref<640x32xf32, #tpu.memory_space<hbm>>) target_semaphore(%run_scoped3A : memref<!tpu.dma_semaphore, #tpu.memory_space<semaphore_mem>>)
      %dma_wait3A = arith.constant 0 : i32
      %dma_wait3A_16 = tpu.memref_slice %arg5[%add3A, %dma_wait3A] : memref<20480x32xf32, #tpu.memory_space<hbm>> -> memref<640x32xf32, #tpu.memory_space<hbm>>
      %dma_wait3A_17 = arith.constant 0 : i32
      %dma_wait3A_18 = tpu.memref_slice %arg6[%mul3A_0, %dma_wait3A_17] : memref<10240x32xf32, #tpu.memory_space<vmem_shared>> -> memref<640x32xf32, #tpu.memory_space<vmem_shared>>
      tpu.wait_dma2 semaphore(%run_scoped3A : memref<!tpu.dma_semaphore, #tpu.memory_space<semaphore_mem>>) src(%dma_wait3A_18 : memref<640x32xf32, #tpu.memory_space<vmem_shared>>) dst(%dma_wait3A_16 : memref<640x32xf32, #tpu.memory_space<hbm>>)
      tpu.yield
    }) : () -> ()
    return
  }
}

module attributes {stable_mosaic.version = 14 : i64} {
  func.func @_proj_body(%arg0: i32, %arg1: memref<2000x128xf32, #tpu.memory_space<vmem>>, %arg2: memref<128x32xf32, #tpu.memory_space<vmem>>, %arg3: memref<1x32xf32, #tpu.memory_space<vmem>>, %arg4: memref<2000x32xf32, #tpu.memory_space<vmem>>) attributes {dimension_semantics = [#tpu.dimension_semantics<arbitrary>], iteration_bounds = array<i64: 5>, scalar_prefetch = 0 : i64, scratch_operands = 0 : i64, tpu.core_type = #tpu.core_type<tc>, window_params = [{transform_indices = @transform_0, window_bounds = array<i64: 2000, 128>}, {pipeline_mode = #tpu.pipeline_mode<synchronous>, transform_indices = @transform_1, window_bounds = array<i64: 128, 32>}, {pipeline_mode = #tpu.pipeline_mode<synchronous>, transform_indices = @transform_2, window_bounds = array<i64: 1, 32>}, {transform_indices = @transform_3, window_bounds = array<i64: 2000, 32>}]} {
    %get3A = arith.constant 0 : index
    %get3A_0 = arith.constant 0 : index
    %get3A_1 = vector.load %arg1[%get3A, %get3A_0] : memref<2000x128xf32, #tpu.memory_space<vmem>>, vector<2000x128xf32>
    %get3A_2 = arith.constant 0 : index
    %get3A_3 = arith.constant 0 : index
    %get3A_4 = vector.load %arg2[%get3A_2, %get3A_3] : memref<128x32xf32, #tpu.memory_space<vmem>>, vector<128x32xf32>
    %dot_general3A = arith.constant dense<0.000000e+00> : vector<2000x32xf32>
    %dot_general3A_5 = tpu.matmul %get3A_1, %get3A_4, %dot_general3A {dimension_numbers = #tpu.dot_dimension_numbers<[1], [0], [0], [1], [0, 0, 1, 1], [], []>, transpose_lhs_hint = false} : vector<2000x128xf32>, vector<128x32xf32>, vector<2000x32xf32> -> vector<2000x32xf32>
    %get3A_6 = arith.constant 0 : index
    %get3A_7 = arith.constant 0 : index
    %get3A_8 = vector.load %arg3[%get3A_6, %get3A_7] : memref<1x32xf32, #tpu.memory_space<vmem>>, vector<1x32xf32>
    %add3A = vector.broadcast %get3A_8 : vector<1x32xf32> to vector<2000x32xf32>
    %add3A_9 = arith.addf %dot_general3A_5, %add3A : vector<2000x32xf32>
    %swap3A = arith.constant 0 : index
    %swap3A_10 = arith.constant 0 : index
    %swap3A_11 = vector.load %arg4[%swap3A, %swap3A_10] : memref<2000x32xf32, #tpu.memory_space<vmem>>, vector<2000x32xf32>
    tpu.vector_store %arg4[%swap3A, %swap3A_10], %add3A_9 {strides = array<i32>} : memref<2000x32xf32, #tpu.memory_space<vmem>>, vector<2000x32xf32>,
    return
  }
  func.func @transform_0(%arg0: i32) -> (i32, i32) {
    %c0_i32 = arith.constant 0 : i32
    %c0_i32_0 = arith.constant 0 : i32
    return %arg0, %c0_i32 : i32, i32
  }
  func.func @transform_1(%arg0: i32) -> (i32, i32) {
    %c0_i32 = arith.constant 0 : i32
    %c0_i32_0 = arith.constant 0 : i32
    %c0_i32_1 = arith.constant 0 : i32
    return %c0_i32, %c0_i32_0 : i32, i32
  }
  func.func @transform_2(%arg0: i32) -> (i32, i32) {
    %c0_i32 = arith.constant 0 : i32
    %c0_i32_0 = arith.constant 0 : i32
    %c0_i32_1 = arith.constant 0 : i32
    return %c0_i32, %c0_i32_0 : i32, i32
  }
  func.func @transform_3(%arg0: i32) -> (i32, i32) {
    %c0_i32 = arith.constant 0 : i32
    %c0_i32_0 = arith.constant 0 : i32
    return %arg0, %c0_i32 : i32, i32
  }
}

module attributes {stable_mosaic.version = 14 : i64} {
  func.func @_msg_body(%arg0: i32, %arg1: memref<2000x16xf32, #tpu.memory_space<vmem>>, %arg2: memref<16x128xf32, #tpu.memory_space<vmem>>, %arg3: memref<1x128xf32, #tpu.memory_space<vmem>>, %arg4: memref<128x1024xf32, #tpu.memory_space<vmem>>, %arg5: memref<1x1024xf32, #tpu.memory_space<vmem>>, %arg6: memref<2000x32xf32, #tpu.memory_space<vmem>>, %arg7: memref<32x1024xbf16, #tpu.memory_space<vmem>>, %arg8: memref<2000x32xf32, #tpu.memory_space<vmem>>) attributes {dimension_semantics = [#tpu.dimension_semantics<arbitrary>], iteration_bounds = array<i64: 80>, scalar_prefetch = 0 : i64, scratch_operands = 0 : i64, tpu.core_type = #tpu.core_type<tc>, window_params = [{transform_indices = @transform_0, window_bounds = array<i64: 2000, 16>}, {pipeline_mode = #tpu.pipeline_mode<synchronous>, transform_indices = @transform_1, window_bounds = array<i64: 16, 128>}, {pipeline_mode = #tpu.pipeline_mode<synchronous>, transform_indices = @transform_2, window_bounds = array<i64: 1, 128>}, {pipeline_mode = #tpu.pipeline_mode<synchronous>, transform_indices = @transform_3, window_bounds = array<i64: 128, 1024>}, {pipeline_mode = #tpu.pipeline_mode<synchronous>, transform_indices = @transform_4, window_bounds = array<i64: 1, 1024>}, {transform_indices = @transform_5, window_bounds = array<i64: 2000, 32>}, {pipeline_mode = #tpu.pipeline_mode<synchronous>, transform_indices = @transform_6, window_bounds = array<i64: 32, 1024>}, {transform_indices = @transform_7, window_bounds = array<i64: 2000, 32>}]} {
    %get3A = arith.constant 0 : index
    %get3A_0 = arith.constant 0 : index
    %get3A_1 = vector.load %arg1[%get3A, %get3A_0] : memref<2000x16xf32, #tpu.memory_space<vmem>>, vector<2000x16xf32>
    %get3A_2 = arith.constant 0 : index
    %get3A_3 = arith.constant 0 : index
    %get3A_4 = vector.load %arg2[%get3A_2, %get3A_3] : memref<16x128xf32, #tpu.memory_space<vmem>>, vector<16x128xf32>
    %dot_general3A = arith.constant dense<0.000000e+00> : vector<2000x128xf32>
    %dot_general3A_5 = tpu.matmul %get3A_1, %get3A_4, %dot_general3A {dimension_numbers = #tpu.dot_dimension_numbers<[1], [0], [0], [1], [0, 0, 1, 1], [], []>, transpose_lhs_hint = false} : vector<2000x16xf32>, vector<16x128xf32>, vector<2000x128xf32> -> vector<2000x128xf32>
    %get3A_6 = arith.constant 0 : index
    %get3A_7 = arith.constant 0 : index
    %get3A_8 = vector.load %arg3[%get3A_6, %get3A_7] : memref<1x128xf32, #tpu.memory_space<vmem>>, vector<1x128xf32>
    %add3A = vector.broadcast %get3A_8 : vector<1x128xf32> to vector<2000x128xf32>
    %add3A_9 = arith.addf %dot_general3A_5, %add3A : vector<2000x128xf32>
    %max3A = arith.constant 0.000000e+00 : f32
    %max3A_10 = vector.broadcast %max3A : f32 to vector<2000x128xf32>
    %max3A_11 = arith.maximumf %add3A_9, %max3A_10 : vector<2000x128xf32>
    %get3A_12 = arith.constant 0 : index
    %get3A_13 = arith.constant 0 : index
    %get3A_14 = vector.load %arg4[%get3A_12, %get3A_13] : memref<128x1024xf32, #tpu.memory_space<vmem>>, vector<128x1024xf32>
    %dot_general3A_15 = arith.constant dense<0.000000e+00> : vector<2000x1024xf32>
    %dot_general3A_16 = tpu.matmul %max3A_11, %get3A_14, %dot_general3A_15 {dimension_numbers = #tpu.dot_dimension_numbers<[1], [0], [0], [1], [0, 0, 1, 1], [], []>, transpose_lhs_hint = false} : vector<2000x128xf32>, vector<128x1024xf32>, vector<2000x1024xf32> -> vector<2000x1024xf32>
    %get3A_17 = arith.constant 0 : index
    %get3A_18 = arith.constant 0 : index
    %get3A_19 = vector.load %arg5[%get3A_17, %get3A_18] : memref<1x1024xf32, #tpu.memory_space<vmem>>, vector<1x1024xf32>
    %add3A_20 = vector.broadcast %get3A_19 : vector<1x1024xf32> to vector<2000x1024xf32>
    %add3A_21 = arith.addf %dot_general3A_16, %add3A_20 : vector<2000x1024xf32>
    %convert_element_type3A = arith.truncf %add3A_21 : vector<2000x1024xf32> to vector<2000x1024xbf16>
    %convert_element_type3A_22 = arith.extf %convert_element_type3A : vector<2000x1024xbf16> to vector<2000x1024xf32>
    %get3A_23 = arith.constant 0 : index
    %get3A_24 = arith.constant 0 : index
    %get3A_25 = vector.load %arg6[%get3A_23, %get3A_24] : memref<2000x32xf32, #tpu.memory_space<vmem>>, vector<2000x32xf32>
    %convert_element_type3A_26 = arith.truncf %get3A_25 : vector<2000x32xf32> to vector<2000x32xbf16>
    %get3A_27 = arith.constant 0 : index
    %get3A_28 = arith.constant 0 : index
    %get3A_29 = vector.load %arg7[%get3A_27, %get3A_28] : memref<32x1024xbf16, #tpu.memory_space<vmem>>, vector<32x1024xbf16>
    %dot_general3A_30 = arith.constant dense<0.000000e+00> : vector<2000x1024xf32>
    %dot_general3A_31 = tpu.matmul %convert_element_type3A_26, %get3A_29, %dot_general3A_30 {dimension_numbers = #tpu.dot_dimension_numbers<[1], [0], [0], [1], [0, 0, 1, 1], [], []>, transpose_lhs_hint = false} : vector<2000x32xbf16>, vector<32x1024xbf16>, vector<2000x1024xf32> -> vector<2000x1024xf32>
    %mul3A = arith.mulf %convert_element_type3A_22, %dot_general3A_31 : vector<2000x1024xf32>
    %slice3A = vector.extract_strided_slice %mul3A {offsets = [0, 0], sizes = [2000, 512], strides = [1, 1]} : vector<2000x1024xf32> to vector<2000x512xf32>
    %slice3A_32 = vector.extract_strided_slice %mul3A {offsets = [0, 512], sizes = [2000, 512], strides = [1, 1]} : vector<2000x1024xf32> to vector<2000x512xf32>
    %add3A_33 = arith.addf %slice3A, %slice3A_32 : vector<2000x512xf32>
    %slice3A_34 = vector.extract_strided_slice %add3A_33 {offsets = [0, 0], sizes = [2000, 256], strides = [1, 1]} : vector<2000x512xf32> to vector<2000x256xf32>
    %slice3A_35 = vector.extract_strided_slice %add3A_33 {offsets = [0, 256], sizes = [2000, 256], strides = [1, 1]} : vector<2000x512xf32> to vector<2000x256xf32>
    %add3A_36 = arith.addf %slice3A_34, %slice3A_35 : vector<2000x256xf32>
    %slice3A_37 = vector.extract_strided_slice %add3A_36 {offsets = [0, 0], sizes = [2000, 128], strides = [1, 1]} : vector<2000x256xf32> to vector<2000x128xf32>
    %slice3A_38 = vector.extract_strided_slice %add3A_36 {offsets = [0, 128], sizes = [2000, 128], strides = [1, 1]} : vector<2000x256xf32> to vector<2000x128xf32>
    %add3A_39 = arith.addf %slice3A_37, %slice3A_38 : vector<2000x128xf32>
    %slice3A_40 = vector.extract_strided_slice %add3A_39 {offsets = [0, 0], sizes = [2000, 64], strides = [1, 1]} : vector<2000x128xf32> to vector<2000x64xf32>
    %slice3A_41 = vector.extract_strided_slice %add3A_39 {offsets = [0, 64], sizes = [2000, 64], strides = [1, 1]} : vector<2000x128xf32> to vector<2000x64xf32>
    %add3A_42 = arith.addf %slice3A_40, %slice3A_41 : vector<2000x64xf32>
    %slice3A_43 = vector.extract_strided_slice %add3A_42 {offsets = [0, 0], sizes = [2000, 32], strides = [1, 1]} : vector<2000x64xf32> to vector<2000x32xf32>
    %slice3A_44 = vector.extract_strided_slice %add3A_42 {offsets = [0, 32], sizes = [2000, 32], strides = [1, 1]} : vector<2000x64xf32> to vector<2000x32xf32>
    %add3A_45 = arith.addf %slice3A_43, %slice3A_44 : vector<2000x32xf32>
    %swap3A = arith.constant 0 : index
    %swap3A_46 = arith.constant 0 : index
    %swap3A_47 = vector.load %arg8[%swap3A, %swap3A_46] : memref<2000x32xf32, #tpu.memory_space<vmem>>, vector<2000x32xf32>
    tpu.vector_store %arg8[%swap3A, %swap3A_46], %add3A_45 {strides = array<i32>} : memref<2000x32xf32, #tpu.memory_space<vmem>>, vector<2000x32xf32>,
    return
  }
  func.func @transform_0(%arg0: i32) -> (i32, i32) {
    %c0_i32 = arith.constant 0 : i32
    %c0_i32_0 = arith.constant 0 : i32
    return %arg0, %c0_i32 : i32, i32
  }
  func.func @transform_1(%arg0: i32) -> (i32, i32) {
    %c0_i32 = arith.constant 0 : i32
    %c0_i32_0 = arith.constant 0 : i32
    %c0_i32_1 = arith.constant 0 : i32
    return %c0_i32, %c0_i32_0 : i32, i32
  }
  func.func @transform_2(%arg0: i32) -> (i32, i32) {
    %c0_i32 = arith.constant 0 : i32
    %c0_i32_0 = arith.constant 0 : i32
    %c0_i32_1 = arith.constant 0 : i32
    return %c0_i32, %c0_i32_0 : i32, i32
  }
  func.func @transform_3(%arg0: i32) -> (i32, i32) {
    %c0_i32 = arith.constant 0 : i32
    %c0_i32_0 = arith.constant 0 : i32
    %c0_i32_1 = arith.constant 0 : i32
    return %c0_i32, %c0_i32_0 : i32, i32
  }
  func.func @transform_4(%arg0: i32) -> (i32, i32) {
    %c0_i32 = arith.constant 0 : i32
    %c0_i32_0 = arith.constant 0 : i32
    %c0_i32_1 = arith.constant 0 : i32
    return %c0_i32, %c0_i32_0 : i32, i32
  }
  func.func @transform_5(%arg0: i32) -> (i32, i32) {
    %c0_i32 = arith.constant 0 : i32
    %c0_i32_0 = arith.constant 0 : i32
    return %arg0, %c0_i32 : i32, i32
  }
  func.func @transform_6(%arg0: i32) -> (i32, i32) {
    %c0_i32 = arith.constant 0 : i32
    %c0_i32_0 = arith.constant 0 : i32
    %c0_i32_1 = arith.constant 0 : i32
    return %c0_i32, %c0_i32_0 : i32, i32
  }
  func.func @transform_7(%arg0: i32) -> (i32, i32) {
    %c0_i32 = arith.constant 0 : i32
    %c0_i32_0 = arith.constant 0 : i32
    return %arg0, %c0_i32 : i32, i32
  }
}

module attributes {stable_mosaic.version = 14 : i64} {
  func.func @_gru_body(%arg0: i32, %arg1: memref<2x2048x32xf32, #tpu.memory_space<vmem>>, %arg2: memref<2048x32xf32, #tpu.memory_space<vmem>>, %arg3: memref<32x96xf32, #tpu.memory_space<vmem>>, %arg4: memref<32x96xf32, #tpu.memory_space<vmem>>, %arg5: memref<1x96xf32, #tpu.memory_space<vmem>>, %arg6: memref<1x96xf32, #tpu.memory_space<vmem>>, %arg7: memref<2048x32xf32, #tpu.memory_space<vmem>>) attributes {dimension_semantics = [#tpu.dimension_semantics<arbitrary>], iteration_bounds = array<i64: 5>, scalar_prefetch = 0 : i64, scratch_operands = 0 : i64, tpu.core_type = #tpu.core_type<tc>, window_params = [{transform_indices = @transform_0, window_bounds = array<i64: 2, 2048, 32>}, {transform_indices = @transform_1, window_bounds = array<i64: 2048, 32>}, {pipeline_mode = #tpu.pipeline_mode<synchronous>, transform_indices = @transform_2, window_bounds = array<i64: 32, 96>}, {pipeline_mode = #tpu.pipeline_mode<synchronous>, transform_indices = @transform_3, window_bounds = array<i64: 32, 96>}, {pipeline_mode = #tpu.pipeline_mode<synchronous>, transform_indices = @transform_4, window_bounds = array<i64: 1, 96>}, {pipeline_mode = #tpu.pipeline_mode<synchronous>, transform_indices = @transform_5, window_bounds = array<i64: 1, 96>}, {transform_indices = @transform_6, window_bounds = array<i64: 2048, 32>}]} {
    %get3A = arith.constant 0 : index
    %get3A_0 = arith.constant 0 : index
    %get3A_1 = arith.constant 0 : index
    %get3A_2 = vector.load %arg1[%get3A, %get3A_0, %get3A_1] : memref<2x2048x32xf32, #tpu.memory_space<vmem>>, vector<1x2048x32xf32>
    %get3A_3 = vector.shape_cast %get3A_2 : vector<1x2048x32xf32> to vector<2048x32xf32>
    %get3A_4 = arith.constant 1 : index
    %get3A_5 = arith.constant 0 : index
    %get3A_6 = arith.constant 0 : index
    %get3A_7 = vector.load %arg1[%get3A_4, %get3A_5, %get3A_6] : memref<2x2048x32xf32, #tpu.memory_space<vmem>>, vector<1x2048x32xf32>
    %get3A_8 = vector.shape_cast %get3A_7 : vector<1x2048x32xf32> to vector<2048x32xf32>
    %add3A = arith.addf %get3A_3, %get3A_8 : vector<2048x32xf32>
    %get3A_9 = arith.constant 0 : index
    %get3A_10 = arith.constant 0 : index
    %get3A_11 = vector.load %arg2[%get3A_9, %get3A_10] : memref<2048x32xf32, #tpu.memory_space<vmem>>, vector<2048x32xf32>
    %get3A_12 = arith.constant 0 : index
    %get3A_13 = arith.constant 0 : index
    %get3A_14 = vector.load %arg3[%get3A_12, %get3A_13] : memref<32x96xf32, #tpu.memory_space<vmem>>, vector<32x96xf32>
    %dot_general3A = arith.constant dense<0.000000e+00> : vector<2048x96xf32>
    %dot_general3A_15 = tpu.matmul %add3A, %get3A_14, %dot_general3A {dimension_numbers = #tpu.dot_dimension_numbers<[1], [0], [0], [1], [0, 0, 1, 1], [], []>, transpose_lhs_hint = false} : vector<2048x32xf32>, vector<32x96xf32>, vector<2048x96xf32> -> vector<2048x96xf32>
    %get3A_16 = arith.constant 0 : index
    %get3A_17 = arith.constant 0 : index
    %get3A_18 = vector.load %arg5[%get3A_16, %get3A_17] : memref<1x96xf32, #tpu.memory_space<vmem>>, vector<1x96xf32>
    %add3A_19 = vector.broadcast %get3A_18 : vector<1x96xf32> to vector<2048x96xf32>
    %add3A_20 = arith.addf %dot_general3A_15, %add3A_19 : vector<2048x96xf32>
    %get3A_21 = arith.constant 0 : index
    %get3A_22 = arith.constant 0 : index
    %get3A_23 = vector.load %arg4[%get3A_21, %get3A_22] : memref<32x96xf32, #tpu.memory_space<vmem>>, vector<32x96xf32>
    %dot_general3A_24 = arith.constant dense<0.000000e+00> : vector<2048x96xf32>
    %dot_general3A_25 = tpu.matmul %get3A_11, %get3A_23, %dot_general3A_24 {dimension_numbers = #tpu.dot_dimension_numbers<[1], [0], [0], [1], [0, 0, 1, 1], [], []>, transpose_lhs_hint = false} : vector<2048x32xf32>, vector<32x96xf32>, vector<2048x96xf32> -> vector<2048x96xf32>
    %get3A_26 = arith.constant 0 : index
    %get3A_27 = arith.constant 0 : index
    %get3A_28 = vector.load %arg6[%get3A_26, %get3A_27] : memref<1x96xf32, #tpu.memory_space<vmem>>, vector<1x96xf32>
    %add3A_29 = vector.broadcast %get3A_28 : vector<1x96xf32> to vector<2048x96xf32>
    %add3A_30 = arith.addf %dot_general3A_25, %add3A_29 : vector<2048x96xf32>
    %slice3A = vector.extract_strided_slice %add3A_20 {offsets = [0, 0], sizes = [2048, 32], strides = [1, 1]} : vector<2048x96xf32> to vector<2048x32xf32>
    %slice3A_31 = vector.extract_strided_slice %add3A_30 {offsets = [0, 0], sizes = [2048, 32], strides = [1, 1]} : vector<2048x96xf32> to vector<2048x32xf32>
    %add3A_32 = arith.addf %slice3A, %slice3A_31 : vector<2048x32xf32>
    %logistic3A = arith.negf %add3A_32 : vector<2048x32xf32>
    %logistic3A_33 = math.exp %logistic3A : vector<2048x32xf32>
    %logistic3A_34 = arith.constant 1.000000e+00 : f32
    %logistic3A_35 = vector.broadcast %logistic3A_34 : f32 to vector<2048x32xf32>
    %logistic3A_36 = arith.addf %logistic3A_35, %logistic3A_33 : vector<2048x32xf32>
    %logistic3A_37 = arith.divf %logistic3A_35, %logistic3A_36 : vector<2048x32xf32>
    %slice3A_38 = vector.extract_strided_slice %add3A_20 {offsets = [0, 32], sizes = [2048, 32], strides = [1, 1]} : vector<2048x96xf32> to vector<2048x32xf32>
    %slice3A_39 = vector.extract_strided_slice %add3A_30 {offsets = [0, 32], sizes = [2048, 32], strides = [1, 1]} : vector<2048x96xf32> to vector<2048x32xf32>
    %add3A_40 = arith.addf %slice3A_38, %slice3A_39 : vector<2048x32xf32>
    %logistic3A_41 = arith.negf %add3A_40 : vector<2048x32xf32>
    %logistic3A_42 = math.exp %logistic3A_41 : vector<2048x32xf32>
    %logistic3A_43 = arith.constant 1.000000e+00 : f32
    %logistic3A_44 = vector.broadcast %logistic3A_43 : f32 to vector<2048x32xf32>
    %logistic3A_45 = arith.addf %logistic3A_44, %logistic3A_42 : vector<2048x32xf32>
    %logistic3A_46 = arith.divf %logistic3A_44, %logistic3A_45 : vector<2048x32xf32>
    %slice3A_47 = vector.extract_strided_slice %add3A_20 {offsets = [0, 64], sizes = [2048, 32], strides = [1, 1]} : vector<2048x96xf32> to vector<2048x32xf32>
    %slice3A_48 = vector.extract_strided_slice %add3A_30 {offsets = [0, 64], sizes = [2048, 32], strides = [1, 1]} : vector<2048x96xf32> to vector<2048x32xf32>
    %mul3A = arith.mulf %logistic3A_37, %slice3A_48 : vector<2048x32xf32>
    %add3A_49 = arith.addf %slice3A_47, %mul3A : vector<2048x32xf32>
    %tanh3A = math.tanh %add3A_49 : vector<2048x32xf32>
    %sub3A = arith.constant 1.000000e+00 : f32
    %sub3A_50 = vector.broadcast %sub3A : f32 to vector<2048x32xf32>
    %sub3A_51 = arith.subf %sub3A_50, %logistic3A_46 : vector<2048x32xf32>
    %mul3A_52 = arith.mulf %sub3A_51, %tanh3A : vector<2048x32xf32>
    %mul3A_53 = arith.mulf %logistic3A_46, %get3A_11 : vector<2048x32xf32>
    %add3A_54 = arith.addf %mul3A_52, %mul3A_53 : vector<2048x32xf32>
    %swap3A = arith.constant 0 : index
    %swap3A_55 = arith.constant 0 : index
    %swap3A_56 = vector.load %arg7[%swap3A, %swap3A_55] : memref<2048x32xf32, #tpu.memory_space<vmem>>, vector<2048x32xf32>
    tpu.vector_store %arg7[%swap3A, %swap3A_55], %add3A_54 {strides = array<i32>} : memref<2048x32xf32, #tpu.memory_space<vmem>>, vector<2048x32xf32>,
    return
  }
  func.func @transform_0(%arg0: i32) -> (i32, i32, i32) {
    %c0_i32 = arith.constant 0 : i32
    %c0_i32_0 = arith.constant 0 : i32
    %c0_i32_1 = arith.constant 0 : i32
    return %c0_i32, %arg0, %c0_i32_0 : i32, i32, i32
  }
  func.func @transform_1(%arg0: i32) -> (i32, i32) {
    %c0_i32 = arith.constant 0 : i32
    %c0_i32_0 = arith.constant 0 : i32
    return %arg0, %c0_i32 : i32, i32
  }
  func.func @transform_2(%arg0: i32) -> (i32, i32) {
    %c0_i32 = arith.constant 0 : i32
    %c0_i32_0 = arith.constant 0 : i32
    %c0_i32_1 = arith.constant 0 : i32
    return %c0_i32, %c0_i32_0 : i32, i32
  }
  func.func @transform_3(%arg0: i32) -> (i32, i32) {
    %c0_i32 = arith.constant 0 : i32
    %c0_i32_0 = arith.constant 0 : i32
    %c0_i32_1 = arith.constant 0 : i32
    return %c0_i32, %c0_i32_0 : i32, i32
  }
  func.func @transform_4(%arg0: i32) -> (i32, i32) {
    %c0_i32 = arith.constant 0 : i32
    %c0_i32_0 = arith.constant 0 : i32
    %c0_i32_1 = arith.constant 0 : i32
    return %c0_i32, %c0_i32_0 : i32, i32
  }
  func.func @transform_5(%arg0: i32) -> (i32, i32) {
    %c0_i32 = arith.constant 0 : i32
    %c0_i32_0 = arith.constant 0 : i32
    %c0_i32_1 = arith.constant 0 : i32
    return %c0_i32, %c0_i32_0 : i32, i32
  }
  func.func @transform_6(%arg0: i32) -> (i32, i32) {
    %c0_i32 = arith.constant 0 : i32
    %c0_i32_0 = arith.constant 0 : i32
    return %arg0, %c0_i32 : i32, i32
  }
}

</mosaic_0001>

<sc_bundles>
// kernel: kernel.11.cloned.1.call-start
scs
__scs_entry_jumppad:
0x0: {  	(pc) =	sbr.rel $0x88, $3  }
0x1: {  	(tag) =	ssettag $0x0;
	lr =	simm.s32 $0x1  }
0x2: {  	[smem:$0x3F94] =	sst lr;
	_ =	strace $0xD0000000  }
0x3: {  	_ = 	snop  }
0x4: {  	_ = 	snop  }
0x5: {  	_ = 	snop  }
0x6: {  	_ = 	snop  }
0x7: {  	_ = 	snop  }
__scs_overlays_trampoline_lowered:
0x8: {  	[smem:$0x3FA3] =	sst s0  }
0x9: {  	[smem:$0x3FA4] =	sst s1  }
0xa: {  	[smem:$0x3FA5] =	sst s2  }
0xb: {  	[smem:$0x3FA6] =	sst s3  }
0xc: {  	[smem:$0x3FA7] =	sst s4  }
0xd: {  	[smem:$0x3FA8] =	sst s5  }
0xe: {  	[smem:$0x3FA9] =	sst s6  }
0xf: {  	[smem:$0x3FAA] =	sst s7  }
0x10: {  	[smem:$0x3FAB] =	sst s8  }
0x11: {  	[smem:$0x3FAC] =	sst s9;
	s0 =	simm.s32 @!p0 $0x0  }
0x12: {  	s1 =	sld [smem:$0x3F92];
	s0 =	simm.s32 @p0 $0x1  }
0x13: {  	[smem:$0x3FAD] =	sst s0;
	s0 =	simm.s32 @!p1 $0x0  }
0x14: {  	s2 =	sld [smem:$0x3F91];
	s0 =	simm.s32 @p1 $0x1  }
0x15: {  	[smem:$0x3FAE] =	sst s0;
	s0 =	simm.s32 @!p2 $0x0  }
0x16: {  	s3 =	sld [smem:$0x3FDB];
	s0 =	simm.s32 @p2 $0x1  }
0x17: {  	s4 =	simm.s32 $0x1BF5;
	[smem:$0x3FB0] =	sst s0  }
0x18: {  	s0 =	sld [smem:$0x3F93];
	_ =	swait.ge [sflag:s4], $0x0  }
0x19: {  	s7 =	sld [smem:$0x3F94]  }
0x1a: {  	s8 =	sadd.s32 $0xFFFFE003, lr  }
0x1b: {  	s9 =	sadd.s32 $0xFFFFFEF7, lr;
	s5 =	simm.s32 $0xFFFFFFFF;
	p2 =	slt.u32 s8, $0xFFFFF086  }
0x1c: {  	p1 =	slt.u32 s9, $0xF7A;
	s5 =	simm.s32 @!p2 $0x0  }
0x1d: {  	s5 =	simm.s32 @p1 $0x1;
	p0 =	seq.s32 s7, s2  }
0x1e: {  	s7 =	smul.u32 @!p0 $0xF7A, s2;
	p2 =	seq.s32 @!p0 s5, $0x0  }
0x1f: {  	s9 =	smul.u32 $0xF7A, s1;
	s8 =	simm.s32 @!p0 $0x1BF5;
	p2 =	por !p2, p0  }
0x20: {  	[sflag:s8] =	ssyncset.s32 @!p0 $0xFFFFF086;
	s6 =	sadd.s32 @!p0 s3, s7;
	s7 =	simm.s32 @!p0 $0x108  }
0x21: {  	s3 =	sadd.s32 s3, s9;
	s6 =	sadd.s32 @!p0 $0x88, s6;
	s7 =	simm.s32 @p2 $0x1082  }
0x22: {  	[simem:s7], [sflag:s8] =	dma.local @!p0 [hbm:s6], $0xF7A  }
0x23: {  	s9 =	sor.u32 $0xD0000000, s2;
	s6 =	simm.s32 $0x108;
	_ =	swait.ge @!p0 [sflag:s8], $0x0  }
0x24: {  	s3 =	sadd.s32 $0x88, s3;
	s6 =	simm.s32 @!p1 $0x1082;
	[sflag:s4] =	ssyncset.s32 $0xFFFFF086  }
0x25: {  	[simem:s6], [sflag:s4] =	dma.local [hbm:s3], $0xF7A  }
0x26: {  	[smem:$0x3F94] =	sst s1;
	(tag) =	ssettag s2;
	_ =	strace s9  }
0x27: {  	s1 =	sld [smem:$0x3FA4]  }
0x28: {  	s2 =	sld [smem:$0x3FA5]  }
0x29: {  	s4 =	sld [smem:$0x3FA7]  }
0x2a: {  	p0 =	seq.s32 s5, $0x0;
	s5 =	sld [smem:$0x3FA8]  }
0x2b: {  	s6 =	sld [smem:$0x3FA9]  }
0x2c: {  	s7 =	sld [smem:$0x3FAA]  }
0x2d: {  	s3 =	simm.s32 $0x108;
	s8 =	sld [smem:$0x3FAB]  }
0x2e: {  	s3 =	simm.s32 @!p0 $0x1082;
	s9 =	sld [smem:$0x3FAC]  }
0x2f: {  	lr =	sadd.s32 s0, s3;
	s0 =	sld [smem:$0x3FA3]  }
0x30: {  	s3 =	sld [smem:$0x3FA6]  }
0x31: {  	[smem:$0x3FAF] =	sst s10  }
0x32: {  	s10 =	sld [smem:$0x3FAD];
	_ =	sdelay $0x3  }
0x33: {  	p0 =	seq.s32 s10, $0x1;
	s10 =	sld [smem:$0x3FAF];
	_ =	sdelay $0x3  }
0x34: {  	[smem:$0x3FAF] =	sst s10  }
0x35: {  	s10 =	sld [smem:$0x3FAE];
	_ =	sdelay $0x3  }
0x36: {  	p1 =	seq.s32 s10, $0x1;
	s10 =	sld [smem:$0x3FAF];
	_ =	sdelay $0x3  }
0x37: {  	[smem:$0x3FAF] =	sst s10  }
0x38: {  	s10 =	sld [smem:$0x3FB0]  }
0x39: {  	_ = 	snop;
	(pc) =	sbr.ind lr, $3  }
0x3a: {  	_ = 	snop  }
0x3b: {  	_ = 	snop  }
0x3c: {  	p2 =	seq.s32 s10, $0x1;
	s10 =	sld [smem:$0x3FAF]  }
0x3d: {  	_ =	shalt  }
0x3e: {  	_ =	shalt  }
0x3f: {  	_ =	shalt  }
0x40: {  	_ =	shalt  }
0x41: {  	_ =	shalt  }
0x42: {  	_ =	shalt  }
0x43: {  	_ =	shalt  }
0x44: {  	_ =	shalt  }
0x45: {  	_ =	shalt  }
0x46: {  	_ =	shalt  }
0x47: {  	_ =	shalt  }
0x48: {  	_ =	shalt  }
0x49: {  	_ =	shalt  }
0x4a: {  	_ =	shalt  }
0x4b: {  	_ =	shalt  }
0x4c: {  	_ =	shalt  }
0x4d: {  	_ =	shalt  }
0x4e: {  	_ =	shalt  }
0x4f: {  	_ =	shalt  }
0x50: {  	_ =	shalt  }
0x51: {  	_ =	shalt  }
0x52: {  	_ =	shalt  }
0x53: {  	_ =	shalt  }
0x54: {  	_ =	shalt  }
0x55: {  	_ =	shalt  }
0x56: {  	_ =	shalt  }
0x57: {  	_ =	shalt  }
0x58: {  	_ =	shalt  }
0x59: {  	_ =	shalt  }
0x5a: {  	_ =	shalt  }
0x5b: {  	_ =	shalt  }
0x5c: {  	_ =	shalt  }
0x5d: {  	_ =	shalt  }
0x5e: {  	_ =	shalt  }
0x5f: {  	_ =	shalt  }
0x60: {  	_ =	shalt  }
0x61: {  	_ =	shalt  }
0x62: {  	_ =	shalt  }
0x63: {  	_ =	shalt  }
0x64: {  	_ =	shalt  }
0x65: {  	_ =	shalt  }
0x66: {  	_ =	shalt  }
0x67: {  	_ =	shalt  }
0x68: {  	_ =	shalt  }
0x69: {  	_ =	shalt  }
0x6a: {  	_ =	shalt  }
0x6b: {  	_ =	shalt  }
0x6c: {  	_ =	shalt  }
0x6d: {  	_ =	shalt  }
0x6e: {  	_ =	shalt  }
0x6f: {  	_ =	shalt  }
0x70: {  	_ =	shalt  }
0x71: {  	_ =	shalt  }
0x72: {  	_ =	shalt  }
0x73: {  	_ =	shalt  }
0x74: {  	_ =	shalt  }
0x75: {  	_ =	shalt  }
0x76: {  	_ =	shalt  }
0x77: {  	_ =	shalt  }
0x78: {  	_ =	shalt  }
0x79: {  	_ =	shalt  }
0x7a: {  	_ =	shalt  }
0x7b: {  	_ =	shalt  }
0x7c: {  	_ =	shalt  }
0x7d: {  	_ =	shalt  }
0x7e: {  	_ =	shalt  }
0x7f: {  	_ =	shalt  }
0x80: {  	_ =	shalt  }
0x81: {  	_ =	shalt  }
0x82: {  	_ =	shalt  }
0x83: {  	_ =	shalt  }
0x84: {  	_ =	shalt  }
0x85: {  	_ =	shalt  }
0x86: {  	_ =	shalt  }
0x87: {  	_ =	shalt  }
.Lfunc_end0:
.L_simem_size_0:
called_computation_lowered:
.L_overlay_start_0:
0x88: {  	s2 =	sld [smem:$0x3FD9]  }
0x89: {  	s3 =	sld [smem:$0x3FFE];
	_ =	sdelay $0x1  }
0x8a: {  	s1 =	srdreg.scid  }
0x8b: {  	s0 =	sand.u32 $0x1, s1  }
0x8c: {  	s16 =	sshll.u32 s0, $0xA;
	s2 =	sadd.s32 s3, s2  }
0x8d: {  	s2 =	sadd.s32 s2, s16  }
0x8e: {  	[smem:$0x3FBB] =	sst s2  }
0x8f: {  	_ = 	snop  }
0x90: {  	(tm) =	ssettm $0x1  }
0x91: {  	s17 =	sld [smem:$0x3FFB];
	_ =	sdelay $0x3  }
0x92: {  	_ =	strace s17  }
0x93: {  	s2 =	sld [smem:$0x3FFC];
	_ =	sdelay $0x3  }
0x94: {  	_ =	strace s2  }
0x95: {  	s2 =	sld [smem:$0x3FFD];
	_ =	sdelay $0x3  }
0x96: {  	_ =	strace s2  }
0x97: {  	_ =	strace $0x8FFFFFFF  }
0x98: {  	s18 =	sld [smem:$0x3FDB];
	_ =	sdelay $0x1  }
0x99: {  	s19 =	simm.s32 $_scs_section_size  }
0x9a: {  	s4 =	simm.s32 $_size__tile_overlayer_lowered;
	s5 =	simm.s32 $_tile_overlayer_lowered  }
0x9b: {  	s22 =	simm.s32 $0x1BFF;
	s21 =	sshll.u32 s5, $0x1;
	s2 =	sadd.s32 s19, s18  }
0x9c: {  	s6 =	simm.s32 $0x0;
	s20 =	sshll.u32 s4, $0x1;
	s4 =	sadd.s32 s21, s2  }
0x9d: {  	[timem:s6], [sflag:s22] =	dma.local [hbm:s4], s20  }
0x9e: {  	_ =	swait.ge [sflag:s22], s20  }
0x9f: {  	s3 =	ssub.s32 $0x0, s20;
	[sflag:s22] =	ssyncset.done $0x0  }
0xa0: {  	[sflag:s22] =	ssyncadd.s32 s3;
	_ =	sdelay $0x1  }
0xa1: {  	s23 =	simm.s32 $0x1B8B  }
0xa2: {  	_ =	swait.ge [sflag:s23], $0x1  }
0xa3: {  	[sflag:s23] =	ssyncset.done $0x0  }
0xa4: {  	s25 =	simm.s32 $0x1B8E;
	s24 =	sld [smem:$0x3FFE];
	[sflag:s23] =	ssyncadd.s32 $0xFFFFFFFF  }
0xa5: {  	s26 =	simm.s32 $execute0_lowered;
	[smem:$0x3FD2] =	sst s25  }
0xa6: {  	s4 =	sshll.u32 s26, $0x1;
	_ =	strace $0x80000046;
	[dreg:$0x1] =	wrdreg $0xFFFFFFFF  }
0xa7: {  	s28 =	simm.s32 $_size_execute0_lowered;
	s2 =	sadd.s32 s2, s4;
	[dreg:$0x0] =	wrdreg $0x0  }
0xa8: {  	s4 =	sshll.u32 s28, $0x1;
	[dreg:$0x2] =	wrdreg s2  }
0xa9: {  	[dreg:$0x3] =	wrdreg s4  }
0xaa: {  	[dreg:$0x4] =	wrdreg $0xC0  }
0xab: {  	_ =	task [dreg:s6], $0x5FFFF  }
0xac: {  	[dreg:$0x1] =	wrdreg $0xFFFFFFFF  }
0xad: {  	[dreg:$0x0] =	wrdreg $0x60  }
0xae: {  	[dreg:$0x2] =	wrdreg s24  }
0xaf: {  	[dreg:$0x3] =	wrdreg $0x9  }
0xb0: {  	_ =	task.clear_ibuf [dreg:s6], $0x4FFFF;
	_ =	strace $0x90000046  }
0xb1: {  	s29 =	simm.s32 $0x9;
	_ =	strace $0x80000048  }
0xb2: {  	_ =	swait.ge [sflag:s29], $0x1  }
0xb3: {  	[sflag:s29] =	ssyncadd.s32 $0xFFFFFFFF  }
0xb4: {  	_ =	strace $0x90000048  }
0xb5: {  	_ =	sfence  }
0xb6: {  	s30 =	sld [smem:$0x0];
	_ =	sdelay $0x2  }
0xb7: {  	s31 =	sshll.u32 s1, $0xD;
	s1 =	sshrl.u32 s1, $0x2  }
0xb8: {  	s3 =	sand.u32 $0x4000, s31;
	s1 =	sadd.s32 s1, s30  }
0xb9: {  	s0 =	sor.u32 s3, s0;
	s1 =	sshll.u32 s1, $0x11  }
0xba: {  	s0 =	sor.u32 s1, s0  }
0xbb: {  	s0 =	sadd.s32 $0x8F2B, s0  }
0xbc: {  	[sflag:s0] =	ssyncadd.remote.s32 $0x1  }
0xbd: {  	_ =	sfence.sel $0xFFFF  }
0xbe: {  	[dreg:$0x0] =	wrdreg $0xFFFFFFFF;
	(pc) =	sbr.abs _section_cstart, $3  }
0xbf: {  	[dreg:$0x1] =	wrdreg $0xFFFFFFFF  }
0xc0: {  	_ =	task.clear_ibuf [dreg:s6], $0x2FFFF;
	_ =	strace $0x9FFFFFFF  }
0xc1: {  	(tm) =	ssettm $0x7FFFFFFF  }
tec
execute0_lowered:
.L_overlay_start_1:
0x0: {  	(tag) =	ssettag $0x1  }
0x1: {  	s4 =	rddreg [dreg:$0x0]  }
0x2: {  	s0 =	rddreg [dreg:$0x1];
	s1 =	simm.s32 $0x0;
	s5 =	srdreg.scid  }
0x3: {  	s2 =	stileid.u32;
	[smem:$0x7FF] =	sst s1  }
0x4: {  	s3 =	sadd.s32 $0x30800, s4;
	s5 =	sand.u32 $0x1, s5;
	s6 =	sshll.u32 s2, $0x5  }
0x5: {  	s7 =	sshll.u32 s2, $0xA;
	_ =	strace $0x80000047;
	s8 =	ssub.s32 $0x2, s5  }
0x6: {  	s6 =	sadd.s32 s6, s4;
	s7 =	sadd.s32 s7, s4;
	s9 =	sshll.u32 s5, $0x9  }
0x7: {  	s5 =	sshll.u32 s5, $0x4;
	s4 =	sshll.u32 s2, $0x1;
	s30 =	sshrl.u32 s8, $0x1  }
0x8: {  	s7 =	sadd.s32 s9, s7;
	s31 =	sadd.s32 s5, s6;
	s8 =	ssub.s32 s8, s30  }
0x9: {  	s6 =	sadd.s32 $0x3A800, s7;
	s7 =	sadd.s32 $0x3800, s31;
	s5 =	smax.u32 s8, $0x1  }
.LBB2_1:
0xa: {  	s8 =	sadd.s32 $0x0, s4  }
0xb: {  	p0 =	sgt.u32 s8, $0x4E1  }
0xc: {  	s8 =	simm.s32 @!p0 $0x0;
	s9 =	simm.s32 @!p0 $0x3  }
0xd: {  	[tilespmem:s8], [sflag:$0x3] =	stream.linear.gather @!p0 [hbm4b:s7+s8], $0x80, $0x38;
	[tilespmem:$0x1080] =	vst v63  }
0xe: {  	_ =	swait.ge @!p0 [sflag:s9], $0x80  }
0xf: {  	[sflag:s9] =	ssyncset.done @!p0 $0x0;
	p0 =	por p0, p0  }
0x10: {  	[sflag:s9] =	ssyncadd.s32 @!p0 $0xFFFFFF80;
	s10 =	simm.s32 @!p0 $0x80;
	s11 =	simm.s32 @!p0 $0x1  }
0x11: {  	[tilespmem:s10], [sflag:$0x1] =	stream.indirect.gather @!p0 [hbm4b:s3+s10], $0x20, s8, s10, $0xb8;
	[tilespmem:$0x1080] =	vst v63  }
0x12: {  	_ =	swait.ge @!p0 [sflag:s11], $0x1000  }
0x13: {  	[sflag:s11] =	ssyncset.done @!p0 $0x0  }
0x14: {  	s31 =	sadd.s32 $0x20, s4;
	[sflag:s11] =	ssyncadd.s32 @!p0 $0xFFFFF000;
	s11 =	simm.s32 @!p0 $0x2  }
0x15: {  	[hbm4b:s6+s8] =	stream.linear.scatter @!p0 [tilespmem:s10], [sflag:$0x2], $0x1000, $0x38;
	[tilespmem:$0x1080] =	vst v63  }
0x16: {  	p1 =	sgt.u32 s31, $0x4E1;
	s9 =	simm.s32 $0x40;
	_ =	swait.ge @!p0 [sflag:s11], $0x1000  }
0x17: {  	s10 =	sadd.s32 $0x200, s7;
	s8 =	sadd.s32 $0x4000, s6;
	[sflag:s11] =	ssyncset.done @!p0 $0x0  }
.LBB2_2:
0x18: {  	s12 =	simm.s32 @!p1 $0x0;
	s13 =	simm.s32 @!p1 $0x3;
	[sflag:s11] =	ssyncadd.s32 @!p0 $0xFFFFF000  }
0x19: {  	[tilespmem:s12], [sflag:$0x3] =	stream.linear.gather @!p1 [hbm4b:s10+s12], $0x80, $0x38;
	[tilespmem:$0x1080] =	vst v63  }
0x1a: {  	s14 =	smov.u32 s9;
	s9 =	sadd.s32 $0x20, s9;
	_ =	swait.ge @!p1 [sflag:s13], $0x80  }
0x1b: {  	p0 =	por p1, p1;
	p2 =	sne.s32 s9, $0x500;
	[sflag:s13] =	ssyncset.done @!p1 $0x0  }
0x1c: {  	s11 =	simm.s32 @!p0 $0x1;
	[sflag:s13] =	ssyncadd.s32 @!p0 $0xFFFFFF80;
	s13 =	simm.s32 @!p0 $0x80  }
0x1d: {  	[tilespmem:s13], [sflag:$0x1] =	stream.indirect.gather @!p0 [hbm4b:s3+s13], $0x20, s12, s13, $0xb8;
	[tilespmem:$0x1080] =	vst v63  }
0x1e: {  	_ =	swait.ge @!p0 [sflag:s11], $0x1000  }
.Ltmp0:
0x1f: {  	[sflag:s11] =	ssyncset.done @!p0 $0x0;
	(pc) =	sbr.rel @p2 .LBB2_2-.Ltmp0, $4  }
0x20: {  	[sflag:s11] =	ssyncadd.s32 @!p0 $0xFFFFF000;
	s11 =	simm.s32 @!p0 $0x2  }
0x21: {  	[hbm4b:s8+s12] =	stream.linear.scatter @!p0 [tilespmem:s13], [sflag:$0x2], $0x1000, $0x38;
	[tilespmem:$0x1080] =	vst v63  }
0x22: {  	s10 =	sadd.s32 $0x200, s10;
	s12 =	sadd.s32 s14, s4;
	_ =	swait.ge @!p0 [sflag:s11], $0x1000  }
0x23: {  	s8 =	sadd.s32 $0x4000, s8;
	p1 =	sgt.u32 s12, $0x4E1;
	[sflag:s11] =	ssyncset.done @!p0 $0x0  }
0x24: {  	s9 =	simm.s32 @!p1 $0x0;
	s12 =	simm.s32 @!p1 $0x3;
	[sflag:s11] =	ssyncadd.s32 @!p0 $0xFFFFF000  }
0x25: {  	[tilespmem:s9], [sflag:$0x3] =	stream.linear.gather @!p1 [hbm4b:s10+s9], $0x80, $0x38;
	[tilespmem:$0x1080] =	vst v63  }
0x26: {  	_ =	swait.ge @!p1 [sflag:s12], $0x80  }
0x27: {  	p0 =	por p1, p1;
	[sflag:s12] =	ssyncset.done @!p1 $0x0  }
0x28: {  	s10 =	simm.s32 @!p0 $0x80;
	s11 =	simm.s32 @!p0 $0x1;
	[sflag:s12] =	ssyncadd.s32 @!p0 $0xFFFFFF80  }
0x29: {  	[tilespmem:s10], [sflag:$0x1] =	stream.indirect.gather @!p0 [hbm4b:s3+s10], $0x20, s9, s10, $0xb8;
	[tilespmem:$0x1080] =	vst v63  }
0x2a: {  	s1 =	sadd.s32 $0x1, s1;
	_ =	swait.ge @!p0 [sflag:s11], $0x1000  }
0x2b: {  	p1 =	sne.s32 s1, s5;
	[sflag:s11] =	ssyncset.done @!p0 $0x0  }
.Ltmp1:
0x2c: {  	[sflag:s11] =	ssyncadd.s32 @!p0 $0xFFFFF000;
	s11 =	simm.s32 @!p0 $0x2;
	(pc) =	sbr.rel @p1 .LBB2_1-.Ltmp1, $4  }
0x2d: {  	[hbm4b:s8+s9] =	stream.linear.scatter @!p0 [tilespmem:s10], [sflag:$0x2], $0x1000, $0x38;
	[tilespmem:$0x1080] =	vst v63  }
0x2e: {  	_ =	swait.ge @!p0 [sflag:s11], $0x1000  }
0x2f: {  	[sflag:s11] =	ssyncset.done @!p0 $0x0  }
0x30: {  	[sflag:s11] =	ssyncadd.s32 @!p0 $0xFFFFF000  }
0x31: {  	_ =	sfence.sel $0x180000  }
0x32: {  	[bflag:$0x0] =	sbarrier.arrive $0xFFFF  }
0x33: {  	p0 =	sne.s32 s2, $0x0;
	_ =	strace $0x90000047  }
0x34: {  	s0 =	sadd.s32 @!p0 $0x100000, s0;
	[bflag:$0x2] =	sbarrier.arrive $0xFFFF  }
0x35: {  	[sflag:s0] =	ssyncadd.tile.s32 @!p0 $0x1;
	_ =	shalt  }
.Lfunc_end2:
_tile_overlayer_lowered:
.L_overlay_start_2:
0x36: {  	(tag) =	ssettag $0x2  }
0x37: {  	s0 =	rddreg [dreg:$0x0];
	s2 =	stileid.u32  }
0x38: {  	s1 =	rddreg [dreg:$0x1];
	p0 =	sne.s32 s2, $0x0  }
0x39: {  	s3 =	rddreg [dreg:$0x2];
	[bflag:$0x3] =	sbarrier.arrive $0xFFFF;
	s2 =	simm.s32 @!p0 $0x1C02  }
0x3a: {  	[timem:s3], [sflag:s2] =	dma.local @!p0 [hbm:s0], s1  }
0x3b: {  	s0 =	simm.s32 @!p0 $0x2  }
0x3c: {  	_ =	swait.ge @!p0 [sflag:s0], s1  }
0x3d: {  	s1 =	ssub.s32 @!p0 $0x0, s1;
	[sflag:s0] =	ssyncset.done @!p0 $0x0  }
0x3e: {  	[sflag:s0] =	ssyncadd.s32 @!p0 s1  }
0x3f: {  	[bflag:$0x3] =	sbarrier.arrive $0xFFFF  }
0x40: {  	_ =	shalt  }

// kernel: kernel.14.cloned.1.call-start
scs
__scs_entry_jumppad:
0x0: {  	(pc) =	sbr.rel $0x88, $3  }
0x1: {  	(tag) =	ssettag $0x0;
	lr =	simm.s32 $0x1  }
0x2: {  	[smem:$0x3F94] =	sst lr;
	_ =	strace $0xD0000000  }
0x3: {  	_ = 	snop  }
0x4: {  	_ = 	snop  }
0x5: {  	_ = 	snop  }
0x6: {  	_ = 	snop  }
0x7: {  	_ = 	snop  }
__scs_overlays_trampoline_lowered:
0x8: {  	[smem:$0x3FA3] =	sst s0  }
0x9: {  	[smem:$0x3FA4] =	sst s1  }
0xa: {  	[smem:$0x3FA5] =	sst s2  }
0xb: {  	[smem:$0x3FA6] =	sst s3  }
0xc: {  	[smem:$0x3FA7] =	sst s4  }
0xd: {  	[smem:$0x3FA8] =	sst s5  }
0xe: {  	[smem:$0x3FA9] =	sst s6  }
0xf: {  	[smem:$0x3FAA] =	sst s7  }
0x10: {  	[smem:$0x3FAB] =	sst s8  }
0x11: {  	[smem:$0x3FAC] =	sst s9;
	s0 =	simm.s32 @!p0 $0x0  }
0x12: {  	s1 =	sld [smem:$0x3F92];
	s0 =	simm.s32 @p0 $0x1  }
0x13: {  	[smem:$0x3FAD] =	sst s0;
	s0 =	simm.s32 @!p1 $0x0  }
0x14: {  	s2 =	sld [smem:$0x3F91];
	s0 =	simm.s32 @p1 $0x1  }
0x15: {  	[smem:$0x3FAE] =	sst s0;
	s0 =	simm.s32 @!p2 $0x0  }
0x16: {  	s3 =	sld [smem:$0x3FDB];
	s0 =	simm.s32 @p2 $0x1  }
0x17: {  	s4 =	simm.s32 $0x1BF5;
	[smem:$0x3FB0] =	sst s0  }
0x18: {  	s0 =	sld [smem:$0x3F93];
	_ =	swait.ge [sflag:s4], $0x0  }
0x19: {  	s7 =	sld [smem:$0x3F94]  }
0x1a: {  	s8 =	sadd.s32 $0xFFFFE003, lr  }
0x1b: {  	s9 =	sadd.s32 $0xFFFFFEF7, lr;
	s5 =	simm.s32 $0xFFFFFFFF;
	p2 =	slt.u32 s8, $0xFFFFF086  }
0x1c: {  	p1 =	slt.u32 s9, $0xF7A;
	s5 =	simm.s32 @!p2 $0x0  }
0x1d: {  	s5 =	simm.s32 @p1 $0x1;
	p0 =	seq.s32 s7, s2  }
0x1e: {  	s7 =	smul.u32 @!p0 $0xF7A, s2;
	p2 =	seq.s32 @!p0 s5, $0x0  }
0x1f: {  	s9 =	smul.u32 $0xF7A, s1;
	s8 =	simm.s32 @!p0 $0x1BF5;
	p2 =	por !p2, p0  }
0x20: {  	[sflag:s8] =	ssyncset.s32 @!p0 $0xFFFFF086;
	s6 =	sadd.s32 @!p0 s3, s7;
	s7 =	simm.s32 @!p0 $0x108  }
0x21: {  	s3 =	sadd.s32 s3, s9;
	s6 =	sadd.s32 @!p0 $0x88, s6;
	s7 =	simm.s32 @p2 $0x1082  }
0x22: {  	[simem:s7], [sflag:s8] =	dma.local @!p0 [hbm:s6], $0xF7A  }
0x23: {  	s9 =	sor.u32 $0xD0000000, s2;
	s6 =	simm.s32 $0x108;
	_ =	swait.ge @!p0 [sflag:s8], $0x0  }
0x24: {  	s3 =	sadd.s32 $0x88, s3;
	s6 =	simm.s32 @!p1 $0x1082;
	[sflag:s4] =	ssyncset.s32 $0xFFFFF086  }
0x25: {  	[simem:s6], [sflag:s4] =	dma.local [hbm:s3], $0xF7A  }
0x26: {  	[smem:$0x3F94] =	sst s1;
	(tag) =	ssettag s2;
	_ =	strace s9  }
0x27: {  	s1 =	sld [smem:$0x3FA4]  }
0x28: {  	s2 =	sld [smem:$0x3FA5]  }
0x29: {  	s4 =	sld [smem:$0x3FA7]  }
0x2a: {  	p0 =	seq.s32 s5, $0x0;
	s5 =	sld [smem:$0x3FA8]  }
0x2b: {  	s6 =	sld [smem:$0x3FA9]  }
0x2c: {  	s7 =	sld [smem:$0x3FAA]  }
0x2d: {  	s3 =	simm.s32 $0x108;
	s8 =	sld [smem:$0x3FAB]  }
0x2e: {  	s3 =	simm.s32 @!p0 $0x1082;
	s9 =	sld [smem:$0x3FAC]  }
0x2f: {  	lr =	sadd.s32 s0, s3;
	s0 =	sld [smem:$0x3FA3]  }
0x30: {  	s3 =	sld [smem:$0x3FA6]  }
0x31: {  	[smem:$0x3FAF] =	sst s10  }
0x32: {  	s10 =	sld [smem:$0x3FAD];
	_ =	sdelay $0x3  }
0x33: {  	p0 =	seq.s32 s10, $0x1;
	s10 =	sld [smem:$0x3FAF];
	_ =	sdelay $0x3  }
0x34: {  	[smem:$0x3FAF] =	sst s10  }
0x35: {  	s10 =	sld [smem:$0x3FAE];
	_ =	sdelay $0x3  }
0x36: {  	p1 =	seq.s32 s10, $0x1;
	s10 =	sld [smem:$0x3FAF];
	_ =	sdelay $0x3  }
0x37: {  	[smem:$0x3FAF] =	sst s10  }
0x38: {  	s10 =	sld [smem:$0x3FB0]  }
0x39: {  	_ = 	snop;
	(pc) =	sbr.ind lr, $3  }
0x3a: {  	_ = 	snop  }
0x3b: {  	_ = 	snop  }
0x3c: {  	p2 =	seq.s32 s10, $0x1;
	s10 =	sld [smem:$0x3FAF]  }
0x3d: {  	_ =	shalt  }
0x3e: {  	_ =	shalt  }
0x3f: {  	_ =	shalt  }
0x40: {  	_ =	shalt  }
0x41: {  	_ =	shalt  }
0x42: {  	_ =	shalt  }
0x43: {  	_ =	shalt  }
0x44: {  	_ =	shalt  }
0x45: {  	_ =	shalt  }
0x46: {  	_ =	shalt  }
0x47: {  	_ =	shalt  }
0x48: {  	_ =	shalt  }
0x49: {  	_ =	shalt  }
0x4a: {  	_ =	shalt  }
0x4b: {  	_ =	shalt  }
0x4c: {  	_ =	shalt  }
0x4d: {  	_ =	shalt  }
0x4e: {  	_ =	shalt  }
0x4f: {  	_ =	shalt  }
0x50: {  	_ =	shalt  }
0x51: {  	_ =	shalt  }
0x52: {  	_ =	shalt  }
0x53: {  	_ =	shalt  }
0x54: {  	_ =	shalt  }
0x55: {  	_ =	shalt  }
0x56: {  	_ =	shalt  }
0x57: {  	_ =	shalt  }
0x58: {  	_ =	shalt  }
0x59: {  	_ =	shalt  }
0x5a: {  	_ =	shalt  }
0x5b: {  	_ =	shalt  }
0x5c: {  	_ =	shalt  }
0x5d: {  	_ =	shalt  }
0x5e: {  	_ =	shalt  }
0x5f: {  	_ =	shalt  }
0x60: {  	_ =	shalt  }
0x61: {  	_ =	shalt  }
0x62: {  	_ =	shalt  }
0x63: {  	_ =	shalt  }
0x64: {  	_ =	shalt  }
0x65: {  	_ =	shalt  }
0x66: {  	_ =	shalt  }
0x67: {  	_ =	shalt  }
0x68: {  	_ =	shalt  }
0x69: {  	_ =	shalt  }
0x6a: {  	_ =	shalt  }
0x6b: {  	_ =	shalt  }
0x6c: {  	_ =	shalt  }
0x6d: {  	_ =	shalt  }
0x6e: {  	_ =	shalt  }
0x6f: {  	_ =	shalt  }
0x70: {  	_ =	shalt  }
0x71: {  	_ =	shalt  }
0x72: {  	_ =	shalt  }
0x73: {  	_ =	shalt  }
0x74: {  	_ =	shalt  }
0x75: {  	_ =	shalt  }
0x76: {  	_ =	shalt  }
0x77: {  	_ =	shalt  }
0x78: {  	_ =	shalt  }
0x79: {  	_ =	shalt  }
0x7a: {  	_ =	shalt  }
0x7b: {  	_ =	shalt  }
0x7c: {  	_ =	shalt  }
0x7d: {  	_ =	shalt  }
0x7e: {  	_ =	shalt  }
0x7f: {  	_ =	shalt  }
0x80: {  	_ =	shalt  }
0x81: {  	_ =	shalt  }
0x82: {  	_ =	shalt  }
0x83: {  	_ =	shalt  }
0x84: {  	_ =	shalt  }
0x85: {  	_ =	shalt  }
0x86: {  	_ =	shalt  }
0x87: {  	_ =	shalt  }
.Lfunc_end0:
.L_simem_size_0:
called_computation.1_lowered:
.L_overlay_start_0:
0x88: {  	s2 =	sld [smem:$0x3FD9]  }
0x89: {  	s3 =	sld [smem:$0x3FFE];
	_ =	sdelay $0x1  }
0x8a: {  	s1 =	srdreg.scid  }
0x8b: {  	s0 =	sand.u32 $0x1, s1  }
0x8c: {  	s17 =	sshll.u32 s0, $0xA;
	s2 =	sadd.s32 s3, s2  }
0x8d: {  	s2 =	sadd.s32 s2, s17  }
0x8e: {  	[smem:$0x3FBB] =	sst s2  }
0x8f: {  	_ = 	snop  }
0x90: {  	s2 =	sld [smem:$0x3FD0];
	(tm) =	ssettm $0x1  }
0x91: {  	s18 =	sld [smem:$0x3FFB];
	_ =	sdelay $0x3  }
0x92: {  	_ =	strace s18  }
0x93: {  	s3 =	sld [smem:$0x3FFC];
	_ =	sdelay $0x3  }
0x94: {  	_ =	strace s3  }
0x95: {  	s3 =	sld [smem:$0x3FFD];
	_ =	sdelay $0x3  }
0x96: {  	_ =	strace s3  }
0x97: {  	_ =	strace $0x8FFFFFFF  }
0x98: {  	s19 =	sld [smem:$0x3FDB];
	_ =	sdelay $0x1  }
0x99: {  	s4 =	simm.s32 $_scs_section_size  }
0x9a: {  	s5 =	simm.s32 $_size__tile_overlayer_lowered;
	s6 =	simm.s32 $_tile_overlayer_lowered  }
0x9b: {  	s22 =	simm.s32 $0x1BFF;
	s21 =	sshll.u32 s6, $0x1;
	s3 =	sadd.s32 s4, s19  }
0x9c: {  	s7 =	simm.s32 $0x0;
	s20 =	sshll.u32 s5, $0x1;
	s5 =	sadd.s32 s21, s3  }
0x9d: {  	[timem:s7], [sflag:s22] =	dma.local [hbm:s5], s20  }
0x9e: {  	_ =	swait.ge [sflag:s22], s20  }
0x9f: {  	s4 =	ssub.s32 $0x0, s20;
	[sflag:s22] =	ssyncset.done $0x0  }
0xa0: {  	[sflag:s22] =	ssyncadd.s32 s4;
	_ =	sdelay $0x1  }
0xa1: {  	s23 =	simm.s32 $0x1B8B  }
0xa2: {  	_ =	swait.ge [sflag:s23], $0x1  }
0xa3: {  	[sflag:s23] =	ssyncset.done $0x0  }
0xa4: {  	s25 =	simm.s32 $0x1B8E;
	s24 =	sld [smem:$0x3FFE];
	[sflag:s23] =	ssyncadd.s32 $0xFFFFFFFF  }
0xa5: {  	s26 =	simm.s32 $execute0_lowered;
	[smem:$0x3FD2] =	sst s25  }
0xa6: {  	s5 =	sshll.u32 s26, $0x1;
	_ =	strace $0x80000049;
	[dreg:$0x1] =	wrdreg $0xFFFFFFFF  }
0xa7: {  	s28 =	simm.s32 $_size_execute0_lowered;
	s3 =	sadd.s32 s3, s5;
	[dreg:$0x0] =	wrdreg $0x0  }
0xa8: {  	s5 =	sshll.u32 s28, $0x1;
	[dreg:$0x2] =	wrdreg s3  }
0xa9: {  	[dreg:$0x3] =	wrdreg s5  }
0xaa: {  	[dreg:$0x4] =	wrdreg $0xC0  }
0xab: {  	_ =	task [dreg:s7], $0x5FFFF  }
0xac: {  	[dreg:$0x1] =	wrdreg $0xFFFFFFFF  }
0xad: {  	[dreg:$0x0] =	wrdreg $0x60  }
0xae: {  	[dreg:$0x2] =	wrdreg s24  }
0xaf: {  	[dreg:$0x3] =	wrdreg s2  }
0xb0: {  	[dreg:$0x4] =	wrdreg $0x0  }
0xb1: {  	[dreg:$0x5] =	wrdreg $0x9  }
0xb2: {  	_ =	task.clear_ibuf [dreg:s7], $0x6FFFF;
	_ =	strace $0x90000049  }
0xb3: {  	s29 =	simm.s32 $0x9;
	_ =	strace $0x8000004B  }
0xb4: {  	_ =	swait.ge [sflag:s29], $0x1  }
0xb5: {  	[sflag:s29] =	ssyncadd.s32 $0xFFFFFFFF  }
0xb6: {  	_ =	strace $0x9000004B  }
0xb7: {  	_ =	sfence  }
0xb8: {  	s30 =	sld [smem:$0x0];
	_ =	sdelay $0x2  }
0xb9: {  	s31 =	sshll.u32 s1, $0xD;
	s1 =	sshrl.u32 s1, $0x2  }
0xba: {  	s3 =	sand.u32 $0x4000, s31;
	s1 =	sadd.s32 s1, s30  }
0xbb: {  	s0 =	sor.u32 s3, s0;
	s1 =	sshll.u32 s1, $0x11  }
0xbc: {  	s0 =	sor.u32 s1, s0  }
0xbd: {  	s0 =	sadd.s32 $0x8F2B, s0  }
0xbe: {  	[sflag:s0] =	ssyncadd.remote.s32 $0x1  }
0xbf: {  	_ =	sfence.sel $0xFFFF  }
0xc0: {  	[dreg:$0x0] =	wrdreg $0xFFFFFFFF;
	(pc) =	sbr.abs _section_cstart, $3  }
0xc1: {  	[dreg:$0x1] =	wrdreg $0xFFFFFFFF  }
0xc2: {  	_ =	task.clear_ibuf [dreg:s7], $0x2FFFF;
	_ =	strace $0x9FFFFFFF  }
0xc3: {  	(tm) =	ssettm $0x7FFFFFFF  }
tec
execute0_lowered:
.L_overlay_start_1:
0x0: {  	(tag) =	ssettag $0x1  }
0x1: {  	s4 =	rddreg [dreg:$0x0];
	s0 =	srdreg.scid  }
0x2: {  	s9 =	rddreg [dreg:$0x1];
	s6 =	sand.u32 $0x1, s0  }
0x3: {  	s0 =	stileid.u32;
	s5 =	smul.u32 $0x4E200, s6  }
0x4: {  	s2 =	rddreg [dreg:$0x2];
	s7 =	smul.u32 $0x5000, s0  }
0x5: {  	s1 =	rddreg [dreg:$0x3];
	s3 =	simm.s32 $0x0;
	s8 =	smul.u32 $0xA00, s0  }
0x6: {  	[smem:$0x7FF] =	sst s3;
	s10 =	smul.u32 $0xA000, s6  }
0x7: {  	_ =	strace $0x8000004A;
	s25 =	ssub.s32 $0x2, s6;
	s28 =	sshll.u32 s0, $0x6  }
0x8: {  	s29 =	sshll.u32 s0, $0x9;
	s14 =	smul.u32 $0x2710, s6;
	s31 =	sshll.u32 s0, $0x4  }
0x9: {  	s26 =	sshrl.u32 s25, $0x1;
	s11 =	sadd.s32 s5, s4;
	s12 =	sshrl.u32 s7, $0x3  }
0xa: {  	s8 =	sadd.s32 s8, s10;
	s10 =	ssub.s32 s25, s26;
	s13 =	sadd.s32 s7, s2  }
0xb: {  	s5 =	sor.u32 $0x1C01, s28;
	s9 =	sadd.s32 s14, s9;
	s12 =	sadd.s32 s12, s4  }
0xc: {  	s8 =	sadd.s32 s8, s4;
	s7 =	smax.u32 s10, $0x1;
	s30 =	sadd.s32 s29, s11  }
0xd: {  	s9 =	sadd.s32 s31, s9;
	s10 =	sshrl.u32 s13, $0x3;
	s11 =	simm.s32 $0x1  }
0xe: {  	s4 =	sadd.s32 $0xCCC00, s12;
	s6 =	sadd.s32 $0x347C00, s8;
	s8 =	sadd.s32 $0x30800, s30  }
.LBB2_1:
0xf: {  	[spmem:s10], [sflag:s5] =	dma.local [hbm:s4], $0xA00  }
0x10: {  	s12 =	sadd.s32 $0x0, s0;
	_ =	swait.ge [sflag:s11], $0xA00  }
0x11: {  	p0 =	sgt.u32 s12, $0x270;
	[sflag:s11] =	ssyncset.done $0x0  }
0x12: {  	s12 =	simm.s32 @!p0 $0x0;
	[sflag:s11] =	ssyncadd.s32 $0xFFFFF600  }
0x13: {  	s13 =	simm.s32 @!p0 $0x5000;
	s15 =	simm.s32 @!p0 $0x2;
	[bflag:$0x0] =	sbarrier.arrive $0xFFFF  }
0x14: {  	[tilespmem:s13], [sflag:$0x2] =	stream.linear.gather @!p0 [hbm4b:s9+s12], $0x80, $0x38;
	[tilespmem:$0x6080] =	vst v63  }
0x15: {  	_ =	swait.ge @!p0 [sflag:s15], $0x80;
	p0 =	por p0, p0  }
0x16: {  	[sflag:s15] =	ssyncset.done @!p0 $0x0  }
0x17: {  	s16 =	simm.s32 @!p0 $0x5080;
	[sflag:s15] =	ssyncadd.s32 @!p0 $0xFFFFFF80  }
0x18: {  	[tilespmem:s16], [sflag:$0x2] =	stream.linear.gather @!p0 [hbm4b:s8+s12], $0x1000, $0x38;
	[tilespmem:$0x6080] =	vst v63  }
0x19: {  	s31 =	sadd.s32 $0x10, s0;
	_ =	swait.ge @!p0 [sflag:s15], $0x1000  }
0x1a: {  	s14 =	simm.s32 $0x20;
	p1 =	sgt.u32 s31, $0x270;
	[sflag:s15] =	ssyncset.done @!p0 $0x0  }
0x1b: {  	s12 =	simm.s32 @!p0 $0x80;
	[sflag:s15] =	ssyncadd.s32 @!p0 $0xFFFFF000;
	s15 =	simm.s32 @!p0 $0x1  }
0x1c: {  	[spmem:s2] =	stream.indirect.scatter.add.f32 @!p0 [tilespmem:s16], [sflag:$0x1], $0x20, s13, s12, $0xb8;
	[tilespmem:$0x6080] =	vst v63  }
0x1d: {  	s13 =	sadd.s32 $0x100, s9;
	s12 =	sadd.s32 $0x2000, s8;
	_ =	swait.ge @!p0 [sflag:s15], $0x1000  }
.LBB2_2:
0x1e: {  	s16 =	simm.s32 @!p1 $0x0  }
0x1f: {  	s17 =	simm.s32 @!p1 $0x5000;
	[sflag:s15] =	ssyncset.done @!p0 $0x0;
	s18 =	smov.u32 s14  }
0x20: {  	s14 =	sadd.s32 $0x10, s14;
	s19 =	simm.s32 @!p1 $0x2;
	[sflag:s15] =	ssyncadd.s32 @!p0 $0xFFFFF000  }
0x21: {  	[tilespmem:s17], [sflag:$0x2] =	stream.linear.gather @!p1 [hbm4b:s13+s16], $0x80, $0x38;
	[tilespmem:$0x6080] =	vst v63  }
0x22: {  	p2 =	sne.s32 s14, $0x280;
	p0 =	por p1, p1;
	_ =	swait.ge @!p1 [sflag:s19], $0x80  }
0x23: {  	[sflag:s19] =	ssyncset.done @!p0 $0x0  }
0x24: {  	s20 =	simm.s32 @!p0 $0x5080;
	[sflag:s19] =	ssyncadd.s32 @!p0 $0xFFFFFF80  }
0x25: {  	[tilespmem:s20], [sflag:$0x2] =	stream.linear.gather @!p0 [hbm4b:s12+s16], $0x1000, $0x38;
	[tilespmem:$0x6080] =	vst v63  }
.Ltmp0:
0x26: {  	_ =	swait.ge @!p0 [sflag:s19], $0x1000;
	(pc) =	sbr.rel @p2 .LBB2_2-.Ltmp0, $4  }
0x27: {  	s15 =	simm.s32 @!p0 $0x1;
	s13 =	sadd.s32 $0x100, s13;
	[sflag:s19] =	ssyncset.done @!p0 $0x0  }
0x28: {  	s16 =	sadd.s32 s18, s0;
	s18 =	simm.s32 @!p0 $0x80;
	[sflag:s19] =	ssyncadd.s32 @!p0 $0xFFFFF000  }
0x29: {  	[spmem:s2] =	stream.indirect.scatter.add.f32 @!p0 [tilespmem:s20], [sflag:$0x1], $0x20, s17, s18, $0xb8;
	[tilespmem:$0x6080] =	vst v63  }
0x2a: {  	s12 =	sadd.s32 $0x2000, s12;
	p1 =	sgt.u32 s16, $0x270;
	_ =	swait.ge @!p0 [sflag:s15], $0x1000  }
0x2b: {  	s14 =	simm.s32 @!p1 $0x0;
	[sflag:s15] =	ssyncset.done @!p0 $0x0  }
0x2c: {  	s16 =	simm.s32 @!p1 $0x5000;
	s17 =	simm.s32 @!p1 $0x2;
	[sflag:s15] =	ssyncadd.s32 @!p0 $0xFFFFF000  }
0x2d: {  	[tilespmem:s16], [sflag:$0x2] =	stream.linear.gather @!p1 [hbm4b:s13+s14], $0x80, $0x38;
	[tilespmem:$0x6080] =	vst v63  }
0x2e: {  	p0 =	por p1, p1;
	_ =	swait.ge @!p1 [sflag:s17], $0x80  }
0x2f: {  	[sflag:s17] =	ssyncset.done @!p0 $0x0  }
0x30: {  	s13 =	simm.s32 @!p0 $0x5080;
	[sflag:s17] =	ssyncadd.s32 @!p0 $0xFFFFFF80  }
0x31: {  	[tilespmem:s13], [sflag:$0x2] =	stream.linear.gather @!p0 [hbm4b:s12+s14], $0x1000, $0x38;
	[tilespmem:$0x6080] =	vst v63  }
0x32: {  	_ =	swait.ge @!p0 [sflag:s17], $0x1000  }
0x33: {  	[sflag:s17] =	ssyncset.done @!p0 $0x0  }
0x34: {  	s12 =	simm.s32 @!p0 $0x1;
	s14 =	simm.s32 @!p0 $0x80;
	[sflag:s17] =	ssyncadd.s32 @!p0 $0xFFFFF000  }
0x35: {  	[spmem:s2] =	stream.indirect.scatter.add.f32 @!p0 [tilespmem:s13], [sflag:$0x1], $0x20, s16, s14, $0xb8;
	[tilespmem:$0x6080] =	vst v63  }
0x36: {  	_ =	swait.ge @!p0 [sflag:s12], $0x1000  }
0x37: {  	s3 =	sadd.s32 $0x1, s3;
	[sflag:s12] =	ssyncset.done @!p0 $0x0  }
0x38: {  	[sflag:s12] =	ssyncadd.s32 @!p0 $0xFFFFF000;
	p0 =	sne.s32 s3, s7  }
.Ltmp1:
0x39: {  	[bflag:$0x0] =	sbarrier.arrive $0xFFFF;
	(pc) =	sbr.rel @p0 .LBB2_1-.Ltmp1, $4  }
0x3a: {  	[hbm:s6], [sflag:s5] =	dma.local [spmem:s10], $0xA00  }
0x3b: {  	_ =	swait.ge [sflag:s11], $0xA00  }
0x3c: {  	[sflag:s11] =	ssyncset.done $0x0  }
0x3d: {  	[sflag:s11] =	ssyncadd.s32 $0xFFFFF600  }
0x3e: {  	_ =	sfence.sel $0x180000  }
0x3f: {  	[bflag:$0x0] =	sbarrier.arrive $0xFFFF  }
0x40: {  	p0 =	sne.s32 s0, $0x0;
	_ =	strace $0x9000004A  }
0x41: {  	s0 =	sadd.s32 @!p0 $0x100000, s1;
	[bflag:$0x2] =	sbarrier.arrive $0xFFFF  }
0x42: {  	[sflag:s0] =	ssyncadd.tile.s32 @!p0 $0x1;
	_ =	shalt  }
.Lfunc_end2:
_tile_overlayer_lowered:
.L_overlay_start_2:
0x43: {  	(tag) =	ssettag $0x2  }
0x44: {  	s0 =	rddreg [dreg:$0x0];
	s2 =	stileid.u32  }
0x45: {  	s1 =	rddreg [dreg:$0x1];
	p0 =	sne.s32 s2, $0x0  }
0x46: {  	s3 =	rddreg [dreg:$0x2];
	[bflag:$0x3] =	sbarrier.arrive $0xFFFF;
	s2 =	simm.s32 @!p0 $0x1C01  }
0x47: {  	[timem:s3], [sflag:s2] =	dma.local @!p0 [hbm:s0], s1  }
0x48: {  	s0 =	simm.s32 @!p0 $0x1  }
0x49: {  	_ =	swait.ge @!p0 [sflag:s0], s1  }
0x4a: {  	s1 =	ssub.s32 @!p0 $0x0, s1;
	[sflag:s0] =	ssyncset.done @!p0 $0x0  }
0x4b: {  	[sflag:s0] =	ssyncadd.s32 @!p0 s1  }
0x4c: {  	[bflag:$0x3] =	sbarrier.arrive $0xFFFF  }
0x4d: {  	_ =	shalt  }

// kernel: kernel.17.cloned.1.call-start
scs
__scs_entry_jumppad:
0x0: {  	(pc) =	sbr.rel $0x88, $3  }
0x1: {  	(tag) =	ssettag $0x0;
	lr =	simm.s32 $0x1  }
0x2: {  	[smem:$0x3F94] =	sst lr;
	_ =	strace $0xD0000000  }
0x3: {  	_ = 	snop  }
0x4: {  	_ = 	snop  }
0x5: {  	_ = 	snop  }
0x6: {  	_ = 	snop  }
0x7: {  	_ = 	snop  }
__scs_overlays_trampoline_lowered:
0x8: {  	[smem:$0x3FA3] =	sst s0  }
0x9: {  	[smem:$0x3FA4] =	sst s1  }
0xa: {  	[smem:$0x3FA5] =	sst s2  }
0xb: {  	[smem:$0x3FA6] =	sst s3  }
0xc: {  	[smem:$0x3FA7] =	sst s4  }
0xd: {  	[smem:$0x3FA8] =	sst s5  }
0xe: {  	[smem:$0x3FA9] =	sst s6  }
0xf: {  	[smem:$0x3FAA] =	sst s7  }
0x10: {  	[smem:$0x3FAB] =	sst s8  }
0x11: {  	[smem:$0x3FAC] =	sst s9;
	s0 =	simm.s32 @!p0 $0x0  }
0x12: {  	s1 =	sld [smem:$0x3F92];
	s0 =	simm.s32 @p0 $0x1  }
0x13: {  	[smem:$0x3FAD] =	sst s0;
	s0 =	simm.s32 @!p1 $0x0  }
0x14: {  	s2 =	sld [smem:$0x3F91];
	s0 =	simm.s32 @p1 $0x1  }
0x15: {  	[smem:$0x3FAE] =	sst s0;
	s0 =	simm.s32 @!p2 $0x0  }
0x16: {  	s3 =	sld [smem:$0x3FDB];
	s0 =	simm.s32 @p2 $0x1  }
0x17: {  	s4 =	simm.s32 $0x1BF5;
	[smem:$0x3FB0] =	sst s0  }
0x18: {  	s0 =	sld [smem:$0x3F93];
	_ =	swait.ge [sflag:s4], $0x0  }
0x19: {  	s7 =	sld [smem:$0x3F94]  }
0x1a: {  	s8 =	sadd.s32 $0xFFFFE003, lr  }
0x1b: {  	s9 =	sadd.s32 $0xFFFFFEF7, lr;
	s5 =	simm.s32 $0xFFFFFFFF;
	p2 =	slt.u32 s8, $0xFFFFF086  }
0x1c: {  	p1 =	slt.u32 s9, $0xF7A;
	s5 =	simm.s32 @!p2 $0x0  }
0x1d: {  	s5 =	simm.s32 @p1 $0x1;
	p0 =	seq.s32 s7, s2  }
0x1e: {  	s7 =	smul.u32 @!p0 $0xF7A, s2;
	p2 =	seq.s32 @!p0 s5, $0x0  }
0x1f: {  	s9 =	smul.u32 $0xF7A, s1;
	s8 =	simm.s32 @!p0 $0x1BF5;
	p2 =	por !p2, p0  }
0x20: {  	[sflag:s8] =	ssyncset.s32 @!p0 $0xFFFFF086;
	s6 =	sadd.s32 @!p0 s3, s7;
	s7 =	simm.s32 @!p0 $0x108  }
0x21: {  	s3 =	sadd.s32 s3, s9;
	s6 =	sadd.s32 @!p0 $0x88, s6;
	s7 =	simm.s32 @p2 $0x1082  }
0x22: {  	[simem:s7], [sflag:s8] =	dma.local @!p0 [hbm:s6], $0xF7A  }
0x23: {  	s9 =	sor.u32 $0xD0000000, s2;
	s6 =	simm.s32 $0x108;
	_ =	swait.ge @!p0 [sflag:s8], $0x0  }
0x24: {  	s3 =	sadd.s32 $0x88, s3;
	s6 =	simm.s32 @!p1 $0x1082;
	[sflag:s4] =	ssyncset.s32 $0xFFFFF086  }
0x25: {  	[simem:s6], [sflag:s4] =	dma.local [hbm:s3], $0xF7A  }
0x26: {  	[smem:$0x3F94] =	sst s1;
	(tag) =	ssettag s2;
	_ =	strace s9  }
0x27: {  	s1 =	sld [smem:$0x3FA4]  }
0x28: {  	s2 =	sld [smem:$0x3FA5]  }
0x29: {  	s4 =	sld [smem:$0x3FA7]  }
0x2a: {  	p0 =	seq.s32 s5, $0x0;
	s5 =	sld [smem:$0x3FA8]  }
0x2b: {  	s6 =	sld [smem:$0x3FA9]  }
0x2c: {  	s7 =	sld [smem:$0x3FAA]  }
0x2d: {  	s3 =	simm.s32 $0x108;
	s8 =	sld [smem:$0x3FAB]  }
0x2e: {  	s3 =	simm.s32 @!p0 $0x1082;
	s9 =	sld [smem:$0x3FAC]  }
0x2f: {  	lr =	sadd.s32 s0, s3;
	s0 =	sld [smem:$0x3FA3]  }
0x30: {  	s3 =	sld [smem:$0x3FA6]  }
0x31: {  	[smem:$0x3FAF] =	sst s10  }
0x32: {  	s10 =	sld [smem:$0x3FAD];
	_ =	sdelay $0x3  }
0x33: {  	p0 =	seq.s32 s10, $0x1;
	s10 =	sld [smem:$0x3FAF];
	_ =	sdelay $0x3  }
0x34: {  	[smem:$0x3FAF] =	sst s10  }
0x35: {  	s10 =	sld [smem:$0x3FAE];
	_ =	sdelay $0x3  }
0x36: {  	p1 =	seq.s32 s10, $0x1;
	s10 =	sld [smem:$0x3FAF];
	_ =	sdelay $0x3  }
0x37: {  	[smem:$0x3FAF] =	sst s10  }
0x38: {  	s10 =	sld [smem:$0x3FB0]  }
0x39: {  	_ = 	snop;
	(pc) =	sbr.ind lr, $3  }
0x3a: {  	_ = 	snop  }
0x3b: {  	_ = 	snop  }
0x3c: {  	p2 =	seq.s32 s10, $0x1;
	s10 =	sld [smem:$0x3FAF]  }
0x3d: {  	_ =	shalt  }
0x3e: {  	_ =	shalt  }
0x3f: {  	_ =	shalt  }
0x40: {  	_ =	shalt  }
0x41: {  	_ =	shalt  }
0x42: {  	_ =	shalt  }
0x43: {  	_ =	shalt  }
0x44: {  	_ =	shalt  }
0x45: {  	_ =	shalt  }
0x46: {  	_ =	shalt  }
0x47: {  	_ =	shalt  }
0x48: {  	_ =	shalt  }
0x49: {  	_ =	shalt  }
0x4a: {  	_ =	shalt  }
0x4b: {  	_ =	shalt  }
0x4c: {  	_ =	shalt  }
0x4d: {  	_ =	shalt  }
0x4e: {  	_ =	shalt  }
0x4f: {  	_ =	shalt  }
0x50: {  	_ =	shalt  }
0x51: {  	_ =	shalt  }
0x52: {  	_ =	shalt  }
0x53: {  	_ =	shalt  }
0x54: {  	_ =	shalt  }
0x55: {  	_ =	shalt  }
0x56: {  	_ =	shalt  }
0x57: {  	_ =	shalt  }
0x58: {  	_ =	shalt  }
0x59: {  	_ =	shalt  }
0x5a: {  	_ =	shalt  }
0x5b: {  	_ =	shalt  }
0x5c: {  	_ =	shalt  }
0x5d: {  	_ =	shalt  }
0x5e: {  	_ =	shalt  }
0x5f: {  	_ =	shalt  }
0x60: {  	_ =	shalt  }
0x61: {  	_ =	shalt  }
0x62: {  	_ =	shalt  }
0x63: {  	_ =	shalt  }
0x64: {  	_ =	shalt  }
0x65: {  	_ =	shalt  }
0x66: {  	_ =	shalt  }
0x67: {  	_ =	shalt  }
0x68: {  	_ =	shalt  }
0x69: {  	_ =	shalt  }
0x6a: {  	_ =	shalt  }
0x6b: {  	_ =	shalt  }
0x6c: {  	_ =	shalt  }
0x6d: {  	_ =	shalt  }
0x6e: {  	_ =	shalt  }
0x6f: {  	_ =	shalt  }
0x70: {  	_ =	shalt  }
0x71: {  	_ =	shalt  }
0x72: {  	_ =	shalt  }
0x73: {  	_ =	shalt  }
0x74: {  	_ =	shalt  }
0x75: {  	_ =	shalt  }
0x76: {  	_ =	shalt  }
0x77: {  	_ =	shalt  }
0x78: {  	_ =	shalt  }
0x79: {  	_ =	shalt  }
0x7a: {  	_ =	shalt  }
0x7b: {  	_ =	shalt  }
0x7c: {  	_ =	shalt  }
0x7d: {  	_ =	shalt  }
0x7e: {  	_ =	shalt  }
0x7f: {  	_ =	shalt  }
0x80: {  	_ =	shalt  }
0x81: {  	_ =	shalt  }
0x82: {  	_ =	shalt  }
0x83: {  	_ =	shalt  }
0x84: {  	_ =	shalt  }
0x85: {  	_ =	shalt  }
0x86: {  	_ =	shalt  }
0x87: {  	_ =	shalt  }
.Lfunc_end0:
.L_simem_size_0:
called_computation.2_lowered:
.L_overlay_start_0:
0x88: {  	s2 =	sld [smem:$0x3FD9]  }
0x89: {  	s3 =	sld [smem:$0x3FFE];
	_ =	sdelay $0x1  }
0x8a: {  	s1 =	srdreg.scid  }
0x8b: {  	s0 =	sand.u32 $0x1, s1  }
0x8c: {  	s16 =	sshll.u32 s0, $0xA;
	s2 =	sadd.s32 s3, s2  }
0x8d: {  	s2 =	sadd.s32 s2, s16  }
0x8e: {  	[smem:$0x3FBB] =	sst s2  }
0x8f: {  	_ = 	snop  }
0x90: {  	(tm) =	ssettm $0x1  }
0x91: {  	s17 =	sld [smem:$0x3FFB];
	_ =	sdelay $0x3  }
0x92: {  	_ =	strace s17  }
0x93: {  	s2 =	sld [smem:$0x3FFC];
	_ =	sdelay $0x3  }
0x94: {  	_ =	strace s2  }
0x95: {  	s2 =	sld [smem:$0x3FFD];
	_ =	sdelay $0x3  }
0x96: {  	_ =	strace s2  }
0x97: {  	_ =	strace $0x8FFFFFFF  }
0x98: {  	s18 =	sld [smem:$0x3FDB];
	_ =	sdelay $0x1  }
0x99: {  	s19 =	simm.s32 $_scs_section_size  }
0x9a: {  	s4 =	simm.s32 $_size__tile_overlayer_lowered;
	s5 =	simm.s32 $_tile_overlayer_lowered  }
0x9b: {  	s22 =	simm.s32 $0x1BFF;
	s21 =	sshll.u32 s5, $0x1;
	s2 =	sadd.s32 s19, s18  }
0x9c: {  	s6 =	simm.s32 $0x0;
	s20 =	sshll.u32 s4, $0x1;
	s4 =	sadd.s32 s21, s2  }
0x9d: {  	[timem:s6], [sflag:s22] =	dma.local [hbm:s4], s20  }
0x9e: {  	_ =	swait.ge [sflag:s22], s20  }
0x9f: {  	s3 =	ssub.s32 $0x0, s20;
	[sflag:s22] =	ssyncset.done $0x0  }
0xa0: {  	[sflag:s22] =	ssyncadd.s32 s3;
	_ =	sdelay $0x1  }
0xa1: {  	s23 =	simm.s32 $0x1B8B  }
0xa2: {  	_ =	swait.ge [sflag:s23], $0x1  }
0xa3: {  	[sflag:s23] =	ssyncset.done $0x0  }
0xa4: {  	s25 =	simm.s32 $0x1B8E;
	s24 =	sld [smem:$0x3FFE];
	[sflag:s23] =	ssyncadd.s32 $0xFFFFFFFF  }
0xa5: {  	s26 =	simm.s32 $execute0_lowered;
	[smem:$0x3FD2] =	sst s25  }
0xa6: {  	s4 =	sshll.u32 s26, $0x1;
	_ =	strace $0x8000004C;
	[dreg:$0x1] =	wrdreg $0xFFFFFFFF  }
0xa7: {  	s28 =	simm.s32 $_size_execute0_lowered;
	s2 =	sadd.s32 s2, s4;
	[dreg:$0x0] =	wrdreg $0x0  }
0xa8: {  	s4 =	sshll.u32 s28, $0x1;
	[dreg:$0x2] =	wrdreg s2  }
0xa9: {  	[dreg:$0x3] =	wrdreg s4  }
0xaa: {  	[dreg:$0x4] =	wrdreg $0xC0  }
0xab: {  	_ =	task [dreg:s6], $0x5FFFF  }
0xac: {  	[dreg:$0x1] =	wrdreg $0xFFFFFFFF  }
0xad: {  	[dreg:$0x0] =	wrdreg $0x60  }
0xae: {  	[dreg:$0x2] =	wrdreg s24  }
0xaf: {  	[dreg:$0x3] =	wrdreg $0x9  }
0xb0: {  	_ =	task.clear_ibuf [dreg:s6], $0x4FFFF;
	_ =	strace $0x9000004C  }
0xb1: {  	s29 =	simm.s32 $0x9;
	_ =	strace $0x8000004E  }
0xb2: {  	_ =	swait.ge [sflag:s29], $0x1  }
0xb3: {  	[sflag:s29] =	ssyncadd.s32 $0xFFFFFFFF  }
0xb4: {  	_ =	strace $0x9000004E  }
0xb5: {  	_ =	sfence  }
0xb6: {  	s30 =	sld [smem:$0x0];
	_ =	sdelay $0x2  }
0xb7: {  	s31 =	sshll.u32 s1, $0xD;
	s1 =	sshrl.u32 s1, $0x2  }
0xb8: {  	s3 =	sand.u32 $0x4000, s31;
	s1 =	sadd.s32 s1, s30  }
0xb9: {  	s0 =	sor.u32 s3, s0;
	s1 =	sshll.u32 s1, $0x11  }
0xba: {  	s0 =	sor.u32 s1, s0  }
0xbb: {  	s0 =	sadd.s32 $0x8F2B, s0  }
0xbc: {  	[sflag:s0] =	ssyncadd.remote.s32 $0x1  }
0xbd: {  	_ =	sfence.sel $0xFFFF  }
0xbe: {  	[dreg:$0x0] =	wrdreg $0xFFFFFFFF;
	(pc) =	sbr.abs _section_cstart, $3  }
0xbf: {  	[dreg:$0x1] =	wrdreg $0xFFFFFFFF  }
0xc0: {  	_ =	task.clear_ibuf [dreg:s6], $0x2FFFF;
	_ =	strace $0x9FFFFFFF  }
0xc1: {  	(tm) =	ssettm $0x7FFFFFFF  }
tec
execute0_lowered:
.L_overlay_start_1:
0x0: {  	(tag) =	ssettag $0x1  }
0x1: {  	s4 =	rddreg [dreg:$0x0]  }
0x2: {  	s0 =	rddreg [dreg:$0x1];
	s1 =	simm.s32 $0x0;
	s5 =	srdreg.scid  }
0x3: {  	s2 =	stileid.u32;
	[smem:$0x7FF] =	sst s1  }
0x4: {  	s3 =	sadd.s32 $0x30800, s4;
	s5 =	sand.u32 $0x1, s5;
	s6 =	sshll.u32 s2, $0x5  }
0x5: {  	s7 =	sshll.u32 s2, $0xA;
	_ =	strace $0x8000004D;
	s8 =	ssub.s32 $0x2, s5  }
0x6: {  	s6 =	sadd.s32 s6, s4;
	s7 =	sadd.s32 s7, s4;
	s9 =	sshll.u32 s5, $0x9  }
0x7: {  	s5 =	sshll.u32 s5, $0x4;
	s4 =	sshll.u32 s2, $0x1;
	s30 =	sshrl.u32 s8, $0x1  }
0x8: {  	s7 =	sadd.s32 s9, s7;
	s31 =	sadd.s32 s5, s6;
	s8 =	ssub.s32 s8, s30  }
0x9: {  	s6 =	sadd.s32 $0x347C00, s7;
	s7 =	sadd.s32 $0x3800, s31;
	s5 =	smax.u32 s8, $0x1  }
.LBB2_1:
0xa: {  	s8 =	sadd.s32 $0x0, s4  }
0xb: {  	p0 =	sgt.u32 s8, $0x4E1  }
0xc: {  	s8 =	simm.s32 @!p0 $0x0;
	s9 =	simm.s32 @!p0 $0x3  }
0xd: {  	[tilespmem:s8], [sflag:$0x3] =	stream.linear.gather @!p0 [hbm4b:s7+s8], $0x80, $0x38;
	[tilespmem:$0x1080] =	vst v63  }
0xe: {  	_ =	swait.ge @!p0 [sflag:s9], $0x80  }
0xf: {  	[sflag:s9] =	ssyncset.done @!p0 $0x0;
	p0 =	por p0, p0  }
0x10: {  	[sflag:s9] =	ssyncadd.s32 @!p0 $0xFFFFFF80;
	s10 =	simm.s32 @!p0 $0x80;
	s11 =	simm.s32 @!p0 $0x1  }
0x11: {  	[tilespmem:s10], [sflag:$0x1] =	stream.indirect.gather @!p0 [hbm4b:s3+s10], $0x20, s8, s10, $0xb8;
	[tilespmem:$0x1080] =	vst v63  }
0x12: {  	_ =	swait.ge @!p0 [sflag:s11], $0x1000  }
0x13: {  	[sflag:s11] =	ssyncset.done @!p0 $0x0  }
0x14: {  	s31 =	sadd.s32 $0x20, s4;
	[sflag:s11] =	ssyncadd.s32 @!p0 $0xFFFFF000;
	s11 =	simm.s32 @!p0 $0x2  }
0x15: {  	[hbm4b:s6+s8] =	stream.linear.scatter @!p0 [tilespmem:s10], [sflag:$0x2], $0x1000, $0x38;
	[tilespmem:$0x1080] =	vst v63  }
0x16: {  	p1 =	sgt.u32 s31, $0x4E1;
	s9 =	simm.s32 $0x40;
	_ =	swait.ge @!p0 [sflag:s11], $0x1000  }
0x17: {  	s10 =	sadd.s32 $0x200, s7;
	s8 =	sadd.s32 $0x4000, s6;
	[sflag:s11] =	ssyncset.done @!p0 $0x0  }
.LBB2_2:
0x18: {  	s12 =	simm.s32 @!p1 $0x0;
	s13 =	simm.s32 @!p1 $0x3;
	[sflag:s11] =	ssyncadd.s32 @!p0 $0xFFFFF000  }
0x19: {  	[tilespmem:s12], [sflag:$0x3] =	stream.linear.gather @!p1 [hbm4b:s10+s12], $0x80, $0x38;
	[tilespmem:$0x1080] =	vst v63  }
0x1a: {  	s14 =	smov.u32 s9;
	s9 =	sadd.s32 $0x20, s9;
	_ =	swait.ge @!p1 [sflag:s13], $0x80  }
0x1b: {  	p0 =	por p1, p1;
	p2 =	sne.s32 s9, $0x500;
	[sflag:s13] =	ssyncset.done @!p1 $0x0  }
0x1c: {  	s11 =	simm.s32 @!p0 $0x1;
	[sflag:s13] =	ssyncadd.s32 @!p0 $0xFFFFFF80;
	s13 =	simm.s32 @!p0 $0x80  }
0x1d: {  	[tilespmem:s13], [sflag:$0x1] =	stream.indirect.gather @!p0 [hbm4b:s3+s13], $0x20, s12, s13, $0xb8;
	[tilespmem:$0x1080] =	vst v63  }
0x1e: {  	_ =	swait.ge @!p0 [sflag:s11], $0x1000  }
.Ltmp0:
0x1f: {  	[sflag:s11] =	ssyncset.done @!p0 $0x0;
	(pc) =	sbr.rel @p2 .LBB2_2-.Ltmp0, $4  }
0x20: {  	[sflag:s11] =	ssyncadd.s32 @!p0 $0xFFFFF000;
	s11 =	simm.s32 @!p0 $0x2  }
0x21: {  	[hbm4b:s8+s12] =	stream.linear.scatter @!p0 [tilespmem:s13], [sflag:$0x2], $0x1000, $0x38;
	[tilespmem:$0x1080] =	vst v63  }
0x22: {  	s10 =	sadd.s32 $0x200, s10;
	s12 =	sadd.s32 s14, s4;
	_ =	swait.ge @!p0 [sflag:s11], $0x1000  }
0x23: {  	s8 =	sadd.s32 $0x4000, s8;
	p1 =	sgt.u32 s12, $0x4E1;
	[sflag:s11] =	ssyncset.done @!p0 $0x0  }
0x24: {  	s9 =	simm.s32 @!p1 $0x0;
	s12 =	simm.s32 @!p1 $0x3;
	[sflag:s11] =	ssyncadd.s32 @!p0 $0xFFFFF000  }
0x25: {  	[tilespmem:s9], [sflag:$0x3] =	stream.linear.gather @!p1 [hbm4b:s10+s9], $0x80, $0x38;
	[tilespmem:$0x1080] =	vst v63  }
0x26: {  	_ =	swait.ge @!p1 [sflag:s12], $0x80  }
0x27: {  	p0 =	por p1, p1;
	[sflag:s12] =	ssyncset.done @!p1 $0x0  }
0x28: {  	s10 =	simm.s32 @!p0 $0x80;
	s11 =	simm.s32 @!p0 $0x1;
	[sflag:s12] =	ssyncadd.s32 @!p0 $0xFFFFFF80  }
0x29: {  	[tilespmem:s10], [sflag:$0x1] =	stream.indirect.gather @!p0 [hbm4b:s3+s10], $0x20, s9, s10, $0xb8;
	[tilespmem:$0x1080] =	vst v63  }
0x2a: {  	s1 =	sadd.s32 $0x1, s1;
	_ =	swait.ge @!p0 [sflag:s11], $0x1000  }
0x2b: {  	p1 =	sne.s32 s1, s5;
	[sflag:s11] =	ssyncset.done @!p0 $0x0  }
.Ltmp1:
0x2c: {  	[sflag:s11] =	ssyncadd.s32 @!p0 $0xFFFFF000;
	s11 =	simm.s32 @!p0 $0x2;
	(pc) =	sbr.rel @p1 .LBB2_1-.Ltmp1, $4  }
0x2d: {  	[hbm4b:s8+s9] =	stream.linear.scatter @!p0 [tilespmem:s10], [sflag:$0x2], $0x1000, $0x38;
	[tilespmem:$0x1080] =	vst v63  }
0x2e: {  	_ =	swait.ge @!p0 [sflag:s11], $0x1000  }
0x2f: {  	[sflag:s11] =	ssyncset.done @!p0 $0x0  }
0x30: {  	[sflag:s11] =	ssyncadd.s32 @!p0 $0xFFFFF000  }
0x31: {  	_ =	sfence.sel $0x180000  }
0x32: {  	[bflag:$0x0] =	sbarrier.arrive $0xFFFF  }
0x33: {  	p0 =	sne.s32 s2, $0x0;
	_ =	strace $0x9000004D  }
0x34: {  	s0 =	sadd.s32 @!p0 $0x100000, s0;
	[bflag:$0x2] =	sbarrier.arrive $0xFFFF  }
0x35: {  	[sflag:s0] =	ssyncadd.tile.s32 @!p0 $0x1;
	_ =	shalt  }
.Lfunc_end2:
_tile_overlayer_lowered:
.L_overlay_start_2:
0x36: {  	(tag) =	ssettag $0x2  }
0x37: {  	s0 =	rddreg [dreg:$0x0];
	s2 =	stileid.u32  }
0x38: {  	s1 =	rddreg [dreg:$0x1];
	p0 =	sne.s32 s2, $0x0  }
0x39: {  	s3 =	rddreg [dreg:$0x2];
	[bflag:$0x3] =	sbarrier.arrive $0xFFFF;
	s2 =	simm.s32 @!p0 $0x1C02  }
0x3a: {  	[timem:s3], [sflag:s2] =	dma.local @!p0 [hbm:s0], s1  }
0x3b: {  	s0 =	simm.s32 @!p0 $0x2  }
0x3c: {  	_ =	swait.ge @!p0 [sflag:s0], s1  }
0x3d: {  	s1 =	ssub.s32 @!p0 $0x0, s1;
	[sflag:s0] =	ssyncset.done @!p0 $0x0  }
0x3e: {  	[sflag:s0] =	ssyncadd.s32 @!p0 s1  }
0x3f: {  	[bflag:$0x3] =	sbarrier.arrive $0xFFFF  }
0x40: {  	_ =	shalt  }

// kernel: kernel.20.cloned.1.call-start
scs
__scs_entry_jumppad:
0x0: {  	(pc) =	sbr.rel $0x88, $3  }
0x1: {  	(tag) =	ssettag $0x0;
	lr =	simm.s32 $0x1  }
0x2: {  	[smem:$0x3F94] =	sst lr;
	_ =	strace $0xD0000000  }
0x3: {  	_ = 	snop  }
0x4: {  	_ = 	snop  }
0x5: {  	_ = 	snop  }
0x6: {  	_ = 	snop  }
0x7: {  	_ = 	snop  }
__scs_overlays_trampoline_lowered:
0x8: {  	[smem:$0x3FA3] =	sst s0  }
0x9: {  	[smem:$0x3FA4] =	sst s1  }
0xa: {  	[smem:$0x3FA5] =	sst s2  }
0xb: {  	[smem:$0x3FA6] =	sst s3  }
0xc: {  	[smem:$0x3FA7] =	sst s4  }
0xd: {  	[smem:$0x3FA8] =	sst s5  }
0xe: {  	[smem:$0x3FA9] =	sst s6  }
0xf: {  	[smem:$0x3FAA] =	sst s7  }
0x10: {  	[smem:$0x3FAB] =	sst s8  }
0x11: {  	[smem:$0x3FAC] =	sst s9;
	s0 =	simm.s32 @!p0 $0x0  }
0x12: {  	s1 =	sld [smem:$0x3F92];
	s0 =	simm.s32 @p0 $0x1  }
0x13: {  	[smem:$0x3FAD] =	sst s0;
	s0 =	simm.s32 @!p1 $0x0  }
0x14: {  	s2 =	sld [smem:$0x3F91];
	s0 =	simm.s32 @p1 $0x1  }
0x15: {  	[smem:$0x3FAE] =	sst s0;
	s0 =	simm.s32 @!p2 $0x0  }
0x16: {  	s3 =	sld [smem:$0x3FDB];
	s0 =	simm.s32 @p2 $0x1  }
0x17: {  	s4 =	simm.s32 $0x1BF5;
	[smem:$0x3FB0] =	sst s0  }
0x18: {  	s0 =	sld [smem:$0x3F93];
	_ =	swait.ge [sflag:s4], $0x0  }
0x19: {  	s7 =	sld [smem:$0x3F94]  }
0x1a: {  	s8 =	sadd.s32 $0xFFFFE003, lr  }
0x1b: {  	s9 =	sadd.s32 $0xFFFFFEF7, lr;
	s5 =	simm.s32 $0xFFFFFFFF;
	p2 =	slt.u32 s8, $0xFFFFF086  }
0x1c: {  	p1 =	slt.u32 s9, $0xF7A;
	s5 =	simm.s32 @!p2 $0x0  }
0x1d: {  	s5 =	simm.s32 @p1 $0x1;
	p0 =	seq.s32 s7, s2  }
0x1e: {  	s7 =	smul.u32 @!p0 $0xF7A, s2;
	p2 =	seq.s32 @!p0 s5, $0x0  }
0x1f: {  	s9 =	smul.u32 $0xF7A, s1;
	s8 =	simm.s32 @!p0 $0x1BF5;
	p2 =	por !p2, p0  }
0x20: {  	[sflag:s8] =	ssyncset.s32 @!p0 $0xFFFFF086;
	s6 =	sadd.s32 @!p0 s3, s7;
	s7 =	simm.s32 @!p0 $0x108  }
0x21: {  	s3 =	sadd.s32 s3, s9;
	s6 =	sadd.s32 @!p0 $0x88, s6;
	s7 =	simm.s32 @p2 $0x1082  }
0x22: {  	[simem:s7], [sflag:s8] =	dma.local @!p0 [hbm:s6], $0xF7A  }
0x23: {  	s9 =	sor.u32 $0xD0000000, s2;
	s6 =	simm.s32 $0x108;
	_ =	swait.ge @!p0 [sflag:s8], $0x0  }
0x24: {  	s3 =	sadd.s32 $0x88, s3;
	s6 =	simm.s32 @!p1 $0x1082;
	[sflag:s4] =	ssyncset.s32 $0xFFFFF086  }
0x25: {  	[simem:s6], [sflag:s4] =	dma.local [hbm:s3], $0xF7A  }
0x26: {  	[smem:$0x3F94] =	sst s1;
	(tag) =	ssettag s2;
	_ =	strace s9  }
0x27: {  	s1 =	sld [smem:$0x3FA4]  }
0x28: {  	s2 =	sld [smem:$0x3FA5]  }
0x29: {  	s4 =	sld [smem:$0x3FA7]  }
0x2a: {  	p0 =	seq.s32 s5, $0x0;
	s5 =	sld [smem:$0x3FA8]  }
0x2b: {  	s6 =	sld [smem:$0x3FA9]  }
0x2c: {  	s7 =	sld [smem:$0x3FAA]  }
0x2d: {  	s3 =	simm.s32 $0x108;
	s8 =	sld [smem:$0x3FAB]  }
0x2e: {  	s3 =	simm.s32 @!p0 $0x1082;
	s9 =	sld [smem:$0x3FAC]  }
0x2f: {  	lr =	sadd.s32 s0, s3;
	s0 =	sld [smem:$0x3FA3]  }
0x30: {  	s3 =	sld [smem:$0x3FA6]  }
0x31: {  	[smem:$0x3FAF] =	sst s10  }
0x32: {  	s10 =	sld [smem:$0x3FAD];
	_ =	sdelay $0x3  }
0x33: {  	p0 =	seq.s32 s10, $0x1;
	s10 =	sld [smem:$0x3FAF];
	_ =	sdelay $0x3  }
0x34: {  	[smem:$0x3FAF] =	sst s10  }
0x35: {  	s10 =	sld [smem:$0x3FAE];
	_ =	sdelay $0x3  }
0x36: {  	p1 =	seq.s32 s10, $0x1;
	s10 =	sld [smem:$0x3FAF];
	_ =	sdelay $0x3  }
0x37: {  	[smem:$0x3FAF] =	sst s10  }
0x38: {  	s10 =	sld [smem:$0x3FB0]  }
0x39: {  	_ = 	snop;
	(pc) =	sbr.ind lr, $3  }
0x3a: {  	_ = 	snop  }
0x3b: {  	_ = 	snop  }
0x3c: {  	p2 =	seq.s32 s10, $0x1;
	s10 =	sld [smem:$0x3FAF]  }
0x3d: {  	_ =	shalt  }
0x3e: {  	_ =	shalt  }
0x3f: {  	_ =	shalt  }
0x40: {  	_ =	shalt  }
0x41: {  	_ =	shalt  }
0x42: {  	_ =	shalt  }
0x43: {  	_ =	shalt  }
0x44: {  	_ =	shalt  }
0x45: {  	_ =	shalt  }
0x46: {  	_ =	shalt  }
0x47: {  	_ =	shalt  }
0x48: {  	_ =	shalt  }
0x49: {  	_ =	shalt  }
0x4a: {  	_ =	shalt  }
0x4b: {  	_ =	shalt  }
0x4c: {  	_ =	shalt  }
0x4d: {  	_ =	shalt  }
0x4e: {  	_ =	shalt  }
0x4f: {  	_ =	shalt  }
0x50: {  	_ =	shalt  }
0x51: {  	_ =	shalt  }
0x52: {  	_ =	shalt  }
0x53: {  	_ =	shalt  }
0x54: {  	_ =	shalt  }
0x55: {  	_ =	shalt  }
0x56: {  	_ =	shalt  }
0x57: {  	_ =	shalt  }
0x58: {  	_ =	shalt  }
0x59: {  	_ =	shalt  }
0x5a: {  	_ =	shalt  }
0x5b: {  	_ =	shalt  }
0x5c: {  	_ =	shalt  }
0x5d: {  	_ =	shalt  }
0x5e: {  	_ =	shalt  }
0x5f: {  	_ =	shalt  }
0x60: {  	_ =	shalt  }
0x61: {  	_ =	shalt  }
0x62: {  	_ =	shalt  }
0x63: {  	_ =	shalt  }
0x64: {  	_ =	shalt  }
0x65: {  	_ =	shalt  }
0x66: {  	_ =	shalt  }
0x67: {  	_ =	shalt  }
0x68: {  	_ =	shalt  }
0x69: {  	_ =	shalt  }
0x6a: {  	_ =	shalt  }
0x6b: {  	_ =	shalt  }
0x6c: {  	_ =	shalt  }
0x6d: {  	_ =	shalt  }
0x6e: {  	_ =	shalt  }
0x6f: {  	_ =	shalt  }
0x70: {  	_ =	shalt  }
0x71: {  	_ =	shalt  }
0x72: {  	_ =	shalt  }
0x73: {  	_ =	shalt  }
0x74: {  	_ =	shalt  }
0x75: {  	_ =	shalt  }
0x76: {  	_ =	shalt  }
0x77: {  	_ =	shalt  }
0x78: {  	_ =	shalt  }
0x79: {  	_ =	shalt  }
0x7a: {  	_ =	shalt  }
0x7b: {  	_ =	shalt  }
0x7c: {  	_ =	shalt  }
0x7d: {  	_ =	shalt  }
0x7e: {  	_ =	shalt  }
0x7f: {  	_ =	shalt  }
0x80: {  	_ =	shalt  }
0x81: {  	_ =	shalt  }
0x82: {  	_ =	shalt  }
0x83: {  	_ =	shalt  }
0x84: {  	_ =	shalt  }
0x85: {  	_ =	shalt  }
0x86: {  	_ =	shalt  }
0x87: {  	_ =	shalt  }
.Lfunc_end0:
.L_simem_size_0:
called_computation.3_lowered:
.L_overlay_start_0:
0x88: {  	s2 =	sld [smem:$0x3FD9]  }
0x89: {  	s3 =	sld [smem:$0x3FFE];
	_ =	sdelay $0x1  }
0x8a: {  	s1 =	srdreg.scid  }
0x8b: {  	s0 =	sand.u32 $0x1, s1  }
0x8c: {  	s17 =	sshll.u32 s0, $0xA;
	s2 =	sadd.s32 s3, s2  }
0x8d: {  	s2 =	sadd.s32 s2, s17  }
0x8e: {  	[smem:$0x3FBB] =	sst s2  }
0x8f: {  	_ = 	snop  }
0x90: {  	s2 =	sld [smem:$0x3FD0];
	(tm) =	ssettm $0x1  }
0x91: {  	s18 =	sld [smem:$0x3FFB];
	_ =	sdelay $0x3  }
0x92: {  	_ =	strace s18  }
0x93: {  	s3 =	sld [smem:$0x3FFC];
	_ =	sdelay $0x3  }
0x94: {  	_ =	strace s3  }
0x95: {  	s3 =	sld [smem:$0x3FFD];
	_ =	sdelay $0x3  }
0x96: {  	_ =	strace s3  }
0x97: {  	_ =	strace $0x8FFFFFFF  }
0x98: {  	s19 =	sld [smem:$0x3FDB];
	_ =	sdelay $0x1  }
0x99: {  	s4 =	simm.s32 $_scs_section_size  }
0x9a: {  	s5 =	simm.s32 $_size__tile_overlayer_lowered;
	s6 =	simm.s32 $_tile_overlayer_lowered  }
0x9b: {  	s22 =	simm.s32 $0x1BFF;
	s21 =	sshll.u32 s6, $0x1;
	s3 =	sadd.s32 s4, s19  }
0x9c: {  	s7 =	simm.s32 $0x0;
	s20 =	sshll.u32 s5, $0x1;
	s5 =	sadd.s32 s21, s3  }
0x9d: {  	[timem:s7], [sflag:s22] =	dma.local [hbm:s5], s20  }
0x9e: {  	_ =	swait.ge [sflag:s22], s20  }
0x9f: {  	s4 =	ssub.s32 $0x0, s20;
	[sflag:s22] =	ssyncset.done $0x0  }
0xa0: {  	[sflag:s22] =	ssyncadd.s32 s4;
	_ =	sdelay $0x1  }
0xa1: {  	s23 =	simm.s32 $0x1B8B  }
0xa2: {  	_ =	swait.ge [sflag:s23], $0x1  }
0xa3: {  	[sflag:s23] =	ssyncset.done $0x0  }
0xa4: {  	s25 =	simm.s32 $0x1B8E;
	s24 =	sld [smem:$0x3FFE];
	[sflag:s23] =	ssyncadd.s32 $0xFFFFFFFF  }
0xa5: {  	s26 =	simm.s32 $execute0_lowered;
	[smem:$0x3FD2] =	sst s25  }
0xa6: {  	s5 =	sshll.u32 s26, $0x1;
	_ =	strace $0x8000004F;
	[dreg:$0x1] =	wrdreg $0xFFFFFFFF  }
0xa7: {  	s28 =	simm.s32 $_size_execute0_lowered;
	s3 =	sadd.s32 s3, s5;
	[dreg:$0x0] =	wrdreg $0x0  }
0xa8: {  	s5 =	sshll.u32 s28, $0x1;
	[dreg:$0x2] =	wrdreg s3  }
0xa9: {  	[dreg:$0x3] =	wrdreg s5  }
0xaa: {  	[dreg:$0x4] =	wrdreg $0xC0  }
0xab: {  	_ =	task [dreg:s7], $0x5FFFF  }
0xac: {  	[dreg:$0x1] =	wrdreg $0xFFFFFFFF  }
0xad: {  	[dreg:$0x0] =	wrdreg $0x60  }
0xae: {  	[dreg:$0x2] =	wrdreg s24  }
0xaf: {  	[dreg:$0x3] =	wrdreg s2  }
0xb0: {  	[dreg:$0x4] =	wrdreg $0x0  }
0xb1: {  	[dreg:$0x5] =	wrdreg $0x9  }
0xb2: {  	_ =	task.clear_ibuf [dreg:s7], $0x6FFFF;
	_ =	strace $0x9000004F  }
0xb3: {  	s29 =	simm.s32 $0x9;
	_ =	strace $0x80000051  }
0xb4: {  	_ =	swait.ge [sflag:s29], $0x1  }
0xb5: {  	[sflag:s29] =	ssyncadd.s32 $0xFFFFFFFF  }
0xb6: {  	_ =	strace $0x90000051  }
0xb7: {  	_ =	sfence  }
0xb8: {  	s30 =	sld [smem:$0x0];
	_ =	sdelay $0x2  }
0xb9: {  	s31 =	sshll.u32 s1, $0xD;
	s1 =	sshrl.u32 s1, $0x2  }
0xba: {  	s3 =	sand.u32 $0x4000, s31;
	s1 =	sadd.s32 s1, s30  }
0xbb: {  	s0 =	sor.u32 s3, s0;
	s1 =	sshll.u32 s1, $0x11  }
0xbc: {  	s0 =	sor.u32 s1, s0  }
0xbd: {  	s0 =	sadd.s32 $0x8F2B, s0  }
0xbe: {  	[sflag:s0] =	ssyncadd.remote.s32 $0x1  }
0xbf: {  	_ =	sfence.sel $0xFFFF  }
0xc0: {  	[dreg:$0x0] =	wrdreg $0xFFFFFFFF;
	(pc) =	sbr.abs _section_cstart, $3  }
0xc1: {  	[dreg:$0x1] =	wrdreg $0xFFFFFFFF  }
0xc2: {  	_ =	task.clear_ibuf [dreg:s7], $0x2FFFF;
	_ =	strace $0x9FFFFFFF  }
0xc3: {  	(tm) =	ssettm $0x7FFFFFFF  }
tec
execute0_lowered:
.L_overlay_start_1:
0x0: {  	(tag) =	ssettag $0x1  }
0x1: {  	s4 =	rddreg [dreg:$0x0];
	s0 =	srdreg.scid  }
0x2: {  	s9 =	rddreg [dreg:$0x1];
	s6 =	sand.u32 $0x1, s0  }
0x3: {  	s0 =	stileid.u32;
	s5 =	smul.u32 $0x4E200, s6  }
0x4: {  	s2 =	rddreg [dreg:$0x2];
	s7 =	smul.u32 $0x5000, s0  }
0x5: {  	s1 =	rddreg [dreg:$0x3];
	s3 =	simm.s32 $0x0;
	s8 =	smul.u32 $0xA00, s0  }
0x6: {  	[smem:$0x7FF] =	sst s3;
	s10 =	smul.u32 $0xA000, s6  }
0x7: {  	_ =	strace $0x80000050;
	s25 =	ssub.s32 $0x2, s6;
	s28 =	sshll.u32 s0, $0x6  }
0x8: {  	s29 =	sshll.u32 s0, $0x9;
	s14 =	smul.u32 $0x2710, s6;
	s31 =	sshll.u32 s0, $0x4  }
0x9: {  	s26 =	sshrl.u32 s25, $0x1;
	s11 =	sadd.s32 s5, s4;
	s12 =	sshrl.u32 s7, $0x3  }
0xa: {  	s8 =	sadd.s32 s8, s10;
	s10 =	ssub.s32 s25, s26;
	s13 =	sadd.s32 s7, s2  }
0xb: {  	s5 =	sor.u32 $0x1C01, s28;
	s9 =	sadd.s32 s14, s9;
	s12 =	sadd.s32 s12, s4  }
0xc: {  	s8 =	sadd.s32 s8, s4;
	s7 =	smax.u32 s10, $0x1;
	s30 =	sadd.s32 s29, s11  }
0xd: {  	s9 =	sadd.s32 s31, s9;
	s10 =	sshrl.u32 s13, $0x3;
	s11 =	simm.s32 $0x1  }
0xe: {  	s4 =	sadd.s32 $0xCCC00, s12;
	s6 =	sadd.s32 $0xD6C00, s8;
	s8 =	sadd.s32 $0x30800, s30  }
.LBB2_1:
0xf: {  	[spmem:s10], [sflag:s5] =	dma.local [hbm:s4], $0xA00  }
0x10: {  	s12 =	sadd.s32 $0x0, s0;
	_ =	swait.ge [sflag:s11], $0xA00  }
0x11: {  	p0 =	sgt.u32 s12, $0x270;
	[sflag:s11] =	ssyncset.done $0x0  }
0x12: {  	s12 =	simm.s32 @!p0 $0x0;
	[sflag:s11] =	ssyncadd.s32 $0xFFFFF600  }
0x13: {  	s13 =	simm.s32 @!p0 $0x5000;
	s15 =	simm.s32 @!p0 $0x2;
	[bflag:$0x0] =	sbarrier.arrive $0xFFFF  }
0x14: {  	[tilespmem:s13], [sflag:$0x2] =	stream.linear.gather @!p0 [hbm4b:s9+s12], $0x80, $0x38;
	[tilespmem:$0x6080] =	vst v63  }
0x15: {  	_ =	swait.ge @!p0 [sflag:s15], $0x80;
	p0 =	por p0, p0  }
0x16: {  	[sflag:s15] =	ssyncset.done @!p0 $0x0  }
0x17: {  	s16 =	simm.s32 @!p0 $0x5080;
	[sflag:s15] =	ssyncadd.s32 @!p0 $0xFFFFFF80  }
0x18: {  	[tilespmem:s16], [sflag:$0x2] =	stream.linear.gather @!p0 [hbm4b:s8+s12], $0x1000, $0x38;
	[tilespmem:$0x6080] =	vst v63  }
0x19: {  	s31 =	sadd.s32 $0x10, s0;
	_ =	swait.ge @!p0 [sflag:s15], $0x1000  }
0x1a: {  	s14 =	simm.s32 $0x20;
	p1 =	sgt.u32 s31, $0x270;
	[sflag:s15] =	ssyncset.done @!p0 $0x0  }
0x1b: {  	s12 =	simm.s32 @!p0 $0x80;
	[sflag:s15] =	ssyncadd.s32 @!p0 $0xFFFFF000;
	s15 =	simm.s32 @!p0 $0x1  }
0x1c: {  	[spmem:s2] =	stream.indirect.scatter.add.f32 @!p0 [tilespmem:s16], [sflag:$0x1], $0x20, s13, s12, $0xb8;
	[tilespmem:$0x6080] =	vst v63  }
0x1d: {  	s13 =	sadd.s32 $0x100, s9;
	s12 =	sadd.s32 $0x2000, s8;
	_ =	swait.ge @!p0 [sflag:s15], $0x1000  }
.LBB2_2:
0x1e: {  	s16 =	simm.s32 @!p1 $0x0  }
0x1f: {  	s17 =	simm.s32 @!p1 $0x5000;
	[sflag:s15] =	ssyncset.done @!p0 $0x0;
	s18 =	smov.u32 s14  }
0x20: {  	s14 =	sadd.s32 $0x10, s14;
	s19 =	simm.s32 @!p1 $0x2;
	[sflag:s15] =	ssyncadd.s32 @!p0 $0xFFFFF000  }
0x21: {  	[tilespmem:s17], [sflag:$0x2] =	stream.linear.gather @!p1 [hbm4b:s13+s16], $0x80, $0x38;
	[tilespmem:$0x6080] =	vst v63  }
0x22: {  	p2 =	sne.s32 s14, $0x280;
	p0 =	por p1, p1;
	_ =	swait.ge @!p1 [sflag:s19], $0x80  }
0x23: {  	[sflag:s19] =	ssyncset.done @!p0 $0x0  }
0x24: {  	s20 =	simm.s32 @!p0 $0x5080;
	[sflag:s19] =	ssyncadd.s32 @!p0 $0xFFFFFF80  }
0x25: {  	[tilespmem:s20], [sflag:$0x2] =	stream.linear.gather @!p0 [hbm4b:s12+s16], $0x1000, $0x38;
	[tilespmem:$0x6080] =	vst v63  }
.Ltmp0:
0x26: {  	_ =	swait.ge @!p0 [sflag:s19], $0x1000;
	(pc) =	sbr.rel @p2 .LBB2_2-.Ltmp0, $4  }
0x27: {  	s15 =	simm.s32 @!p0 $0x1;
	s13 =	sadd.s32 $0x100, s13;
	[sflag:s19] =	ssyncset.done @!p0 $0x0  }
0x28: {  	s16 =	sadd.s32 s18, s0;
	s18 =	simm.s32 @!p0 $0x80;
	[sflag:s19] =	ssyncadd.s32 @!p0 $0xFFFFF000  }
0x29: {  	[spmem:s2] =	stream.indirect.scatter.add.f32 @!p0 [tilespmem:s20], [sflag:$0x1], $0x20, s17, s18, $0xb8;
	[tilespmem:$0x6080] =	vst v63  }
0x2a: {  	s12 =	sadd.s32 $0x2000, s12;
	p1 =	sgt.u32 s16, $0x270;
	_ =	swait.ge @!p0 [sflag:s15], $0x1000  }
0x2b: {  	s14 =	simm.s32 @!p1 $0x0;
	[sflag:s15] =	ssyncset.done @!p0 $0x0  }
0x2c: {  	s16 =	simm.s32 @!p1 $0x5000;
	s17 =	simm.s32 @!p1 $0x2;
	[sflag:s15] =	ssyncadd.s32 @!p0 $0xFFFFF000  }
0x2d: {  	[tilespmem:s16], [sflag:$0x2] =	stream.linear.gather @!p1 [hbm4b:s13+s14], $0x80, $0x38;
	[tilespmem:$0x6080] =	vst v63  }
0x2e: {  	p0 =	por p1, p1;
	_ =	swait.ge @!p1 [sflag:s17], $0x80  }
0x2f: {  	[sflag:s17] =	ssyncset.done @!p0 $0x0  }
0x30: {  	s13 =	simm.s32 @!p0 $0x5080;
	[sflag:s17] =	ssyncadd.s32 @!p0 $0xFFFFFF80  }
0x31: {  	[tilespmem:s13], [sflag:$0x2] =	stream.linear.gather @!p0 [hbm4b:s12+s14], $0x1000, $0x38;
	[tilespmem:$0x6080] =	vst v63  }
0x32: {  	_ =	swait.ge @!p0 [sflag:s17], $0x1000  }
0x33: {  	[sflag:s17] =	ssyncset.done @!p0 $0x0  }
0x34: {  	s12 =	simm.s32 @!p0 $0x1;
	s14 =	simm.s32 @!p0 $0x80;
	[sflag:s17] =	ssyncadd.s32 @!p0 $0xFFFFF000  }
0x35: {  	[spmem:s2] =	stream.indirect.scatter.add.f32 @!p0 [tilespmem:s13], [sflag:$0x1], $0x20, s16, s14, $0xb8;
	[tilespmem:$0x6080] =	vst v63  }
0x36: {  	_ =	swait.ge @!p0 [sflag:s12], $0x1000  }
0x37: {  	s3 =	sadd.s32 $0x1, s3;
	[sflag:s12] =	ssyncset.done @!p0 $0x0  }
0x38: {  	[sflag:s12] =	ssyncadd.s32 @!p0 $0xFFFFF000;
	p0 =	sne.s32 s3, s7  }
.Ltmp1:
0x39: {  	[bflag:$0x0] =	sbarrier.arrive $0xFFFF;
	(pc) =	sbr.rel @p0 .LBB2_1-.Ltmp1, $4  }
0x3a: {  	[hbm:s6], [sflag:s5] =	dma.local [spmem:s10], $0xA00  }
0x3b: {  	_ =	swait.ge [sflag:s11], $0xA00  }
0x3c: {  	[sflag:s11] =	ssyncset.done $0x0  }
0x3d: {  	[sflag:s11] =	ssyncadd.s32 $0xFFFFF600  }
0x3e: {  	_ =	sfence.sel $0x180000  }
0x3f: {  	[bflag:$0x0] =	sbarrier.arrive $0xFFFF  }
0x40: {  	p0 =	sne.s32 s0, $0x0;
	_ =	strace $0x90000050  }
0x41: {  	s0 =	sadd.s32 @!p0 $0x100000, s1;
	[bflag:$0x2] =	sbarrier.arrive $0xFFFF  }
0x42: {  	[sflag:s0] =	ssyncadd.tile.s32 @!p0 $0x1;
	_ =	shalt  }
.Lfunc_end2:
_tile_overlayer_lowered:
.L_overlay_start_2:
0x43: {  	(tag) =	ssettag $0x2  }
0x44: {  	s0 =	rddreg [dreg:$0x0];
	s2 =	stileid.u32  }
0x45: {  	s1 =	rddreg [dreg:$0x1];
	p0 =	sne.s32 s2, $0x0  }
0x46: {  	s3 =	rddreg [dreg:$0x2];
	[bflag:$0x3] =	sbarrier.arrive $0xFFFF;
	s2 =	simm.s32 @!p0 $0x1C01  }
0x47: {  	[timem:s3], [sflag:s2] =	dma.local @!p0 [hbm:s0], s1  }
0x48: {  	s0 =	simm.s32 @!p0 $0x1  }
0x49: {  	_ =	swait.ge @!p0 [sflag:s0], s1  }
0x4a: {  	s1 =	ssub.s32 @!p0 $0x0, s1;
	[sflag:s0] =	ssyncset.done @!p0 $0x0  }
0x4b: {  	[sflag:s0] =	ssyncadd.s32 @!p0 s1  }
0x4c: {  	[bflag:$0x3] =	sbarrier.arrive $0xFFFF  }
0x4d: {  	_ =	shalt  }

</sc_bundles>
